<compile_context>
chip_gen: v7x
topology: tpu7x:2x2x1
jax: 0.10.2.dev20260603
libtpu: 0.0.44.dev20260713+nightly
codegen_flags: <defaults>
</compile_context>

<pallas_src>
import functools

import jax
import jax.numpy as jnp
import numpy as np
from jax import lax
from jax.experimental import pallas as pl
from jax.experimental.pallas import tpu as pltpu
from jax.experimental.pallas import tpu_sc as plsc

EMB = 128
_E = 320000
_N = 10000
_B = 32

_r3 = 3.0 ** (-0.5)
_r2 = 2.0 ** (-0.5)
_r6 = 6.0 ** (-0.5)
_CHANGE = np.array([
    [_r3, 0, 0, 0, _r3, 0, 0, 0, _r3],
    [0, 0, 0, 0, 0, _r2, 0, -_r2, 0],
    [0, 0, -_r2, 0, 0, 0, _r2, 0, 0],
    [0, _r2, 0, -_r2, 0, 0, 0, 0, 0],
    [0, 0, _r2, 0, 0, 0, _r2, 0, 0],
    [0, _r2, 0, _r2, 0, 0, 0, 0, 0],
    [-_r6, 0, 0, 0, 2 * _r6, 0, 0, 0, -_r6],
    [0, 0, 0, 0, 0, _r2, 0, _r2, 0],
    [-_r2, 0, 0, 0, 0, 0, 0, 0, _r2],
], dtype=np.float32)
_R_PAD = np.zeros((8, 9), np.float32)
_R_PAD[0] = _CHANGE[0]
_R_PAD[1:6] = _CHANGE[4:9]

_NT = 16
_EPT = _E // _NT
_EPW = _E // 32
_ROWS = 80


def _sc_edge_weights(dst, bidx):
    mesh = plsc.VectorSubcoreMesh(core_axis_name="c", subcore_axis_name="s")

    @functools.partial(
        pl.kernel,
        mesh=mesh,
        compiler_params=pltpu.CompilerParams(needs_layout_passes=False),
        out_type=jax.ShapeDtypeStruct((_E,), jnp.float32),
        scratch_types=[
            pltpu.VMEM((_EPT,), jnp.int32),
            pltpu.VMEM((_ROWS, 128), jnp.float32),
            pltpu.VMEM((_ROWS * 128,), jnp.float32),
            pltpu.VMEM((_ROWS * 128,), jnp.float32),
            pltpu.VMEM((_N,), jnp.int32),
            pltpu.VMEM((_B,), jnp.float32),
            pltpu.VMEM((_ROWS,), jnp.int32),
            pltpu.VMEM((_EPW,), jnp.float32),
            pltpu.VMEM_SHARED((_ROWS, 128), jnp.float32),
        ],
    )
    def sc_kernel(dst_hbm, bidx_hbm, w_hbm,
                  dst_v, c2, c_flat, v_flat, gb, nbc, idxr, w_out, c_sh):
        cc = lax.axis_index("c")
        ss = lax.axis_index("s")
        iota16 = lax.iota(jnp.int32, 16)
        zeros16 = jnp.zeros((16,), jnp.float32)
        ones16 = jnp.ones((16,), jnp.float32)

        def zero_body(r, carry):
            for u in range(8):
                c2[r, pl.ds(u * 16, 16)] = zeros16
                c_flat[pl.ds(r * 128 + u * 16, 16)] = zeros16
            return carry

        lax.fori_loop(0, _ROWS, zero_body, 0)

        @pl.when(ss == 0)
        def _():
            pltpu.sync_copy(c2, c_sh)

        pltpu.sync_copy(dst_hbm.at[pl.ds(ss * _EPT, _EPT)], dst_v)
        plsc.subcore_barrier()

        def hist_body(j, carry):
            base16 = j * 80
            for u in range(5):
                d = dst_v[pl.ds(base16 + u * 16, 16)]
                plsc.addupdate_scatter(c_flat, [d], ones16)
            return carry

        lax.fori_loop(0, _EPT // 80, hist_body, 0)

        def pack_body(r, carry):
            for u in range(8):
                c2[r, pl.ds(u * 16, 16)] = c_flat[pl.ds(r * 128 + u * 16, 16)]
            return carry

        lax.fori_loop(0, _ROWS, pack_body, 0)

        for j in range(_ROWS // 16):
            idxr[pl.ds(j * 16, 16)] = j * 16 + iota16
        pltpu.sync_copy(c2, c_sh.at[idxr], add=True)
        plsc.subcore_barrier()
        pltpu.sync_copy(c_sh, c2)

        def unpack_body(r, carry):
            for u in range(8):
                c_flat[pl.ds(r * 128 + u * 16, 16)] = c2[r, pl.ds(u * 16, 16)]
            return carry

        lax.fori_loop(0, _ROWS, unpack_body, 0)

        pltpu.sync_copy(bidx_hbm, gb)
        nbc[pl.ds(0, 16)] = zeros16
        nbc[pl.ds(16, 16)] = zeros16

        def nb_body(j, carry):
            base16 = j * 80
            for u in range(5):
                gv = gb[pl.ds(base16 + u * 16, 16)]
                plsc.addupdate_scatter(nbc, [gv], ones16)
            return carry

        lax.fori_loop(0, _N // 80, nb_body, 0)

        def v_body(k, carry):
            base16 = k * 80
            for u in range(5):
                off = base16 + u * 16
                cnt = c_flat[pl.ds(off, 16)]
                cnt = jnp.maximum(cnt, jnp.float32(1.0))
                gv = gb[pl.ds(off, 16)]
                nbg = plsc.load_gather(nbc, [gv])
                v = 1.0 / (cnt * nbg)
                vi = plsc.bitcast(v, jnp.int32)
                vi = jnp.bitwise_or(jnp.bitwise_and(vi, jnp.int32(-32)), gv)
                v_flat[pl.ds(off, 16)] = plsc.bitcast(vi, jnp.float32)
            return carry

        lax.fori_loop(0, _N // 80, v_body, 0)

        base = cc * _EPW

        def e_body(j, carry):
            base16 = base + j * 80
            out16 = j * 80
            for u in range(5):
                d = dst_v[pl.ds(base16 + u * 16, 16)]
                w_out[pl.ds(out16 + u * 16, 16)] = plsc.load_gather(v_flat, [d])
            return carry

        lax.fori_loop(0, _EPW // 80, e_body, 0)

        off = ss * _EPT + cc * _EPW
        pltpu.sync_copy(w_out, w_hbm.at[pl.ds(off, _EPW)])

    return sc_kernel(dst, bidx)


_BLK = 12800
_NBLK = _E // _BLK


def _tc_body(w_ref, ef_ref, vec_ref, ws1_ref, bs1_ref, wi1_ref,
             bi1_ref, w2_ref, b2_ref, r_ref, out_ref, acc_ref, wc_ref,
             u2_ref, bc_ref):
    i = pl.program_id(0)

    @pl.when(i == 0)
    def _():
        acc_ref[...] = jnp.zeros_like(acc_ref)
        wc_ref[:, :EMB] = jnp.transpose(ws1_ref[...])
        wc_ref[:, EMB:] = jnp.transpose(wi1_ref[...])
        bc_ref[0:1, :EMB] = bs1_ref[...]
        bc_ref[0:1, EMB:] = bi1_ref[...]
        u2_ref[...] = jnp.transpose(w2_ref[...])

    ef = ef_ref[...]
    halves = []
    hb = _BLK // 2
    for q in range(2):
        h = jnp.dot(ef[q * hb:(q + 1) * hb, :], wc_ref[...],
                    preferred_element_type=jnp.float32) + bc_ref[...]
        hs = 0.5 * h + (0.5 * h) * jnp.tanh(0.5 * h)
        s2 = jnp.dot(hs, u2_ref[...], preferred_element_type=jnp.float32)
        halves.append(jnp.transpose(s2))
    s2t = jnp.concatenate(halves, axis=1)
    s = s2t[0, :] + b2_ref[0, 0]
    t = s2t[1, :] + b2_ref[0, 1]

    x = vec_ref[0, :]
    y = vec_ref[1, :]
    z = vec_ref[2, :]
    inv2 = 1.0 / (x * x + y * y + z * z)
    s3 = np.float32(3.0 ** 0.5)
    c0 = np.float32(np.sqrt(5.0 / (4.0 * np.pi)))

    w = w_ref[0, 0, :]
    ws = w * s
    wi = w * t * c0 * inv2
    v0 = wi * (s3 * x * z)
    v1 = wi * (s3 * x * y)
    v2 = wi * (y * y - 0.5 * (x * x + z * z))
    v3 = wi * (s3 * y * z)
    v4 = wi * (0.5 * s3 * (z * z - x * x))
    zz = jnp.zeros_like(ws)
    vmat = jnp.stack([ws, v0, v1, v2, v3, v4, zz, zz], axis=0)

    g = jnp.bitwise_and(lax.bitcast_convert_type(w, jnp.int32),
                        jnp.int32(31))
    onehot = (g[None, :] == lax.broadcasted_iota(jnp.int32, (_B, 1), 0))
    onehot = onehot.astype(jnp.float32)
    acc_ref[...] += lax.dot_general(
        onehot, vmat, (((1,), (1,)), ((), ())),
        preferred_element_type=jnp.float32)

    @pl.when(i == _NBLK - 1)
    def _():
        out_ref[...] = jnp.dot(acc_ref[...], r_ref[...],
                               preferred_element_type=jnp.float32)


def _tc_reduce(w_e, ef, vec_t, ws1, bs1, wi1, bi1, w2, b2, rmat):
    full = lambda shape: pl.BlockSpec(shape, lambda i: tuple(0 for _ in shape))
    return pl.pallas_call(
        _tc_body,
        grid=(_NBLK,),
        in_specs=[
            pl.BlockSpec((1, 1, _BLK), lambda i: (i, 0, 0)),
            pl.BlockSpec((_BLK, EMB), lambda i: (i, 0)),
            pl.BlockSpec((3, _BLK), lambda i: (0, i)),
            full((EMB, EMB)),
            full((1, EMB)),
            full((EMB, EMB)),
            full((1, EMB)),
            full((8, 2 * EMB)),
            full((1, 2)),
            full((8, 9)),
        ],
        out_specs=pl.BlockSpec((_B, 9), lambda i: (0, 0)),
        out_shape=jax.ShapeDtypeStruct((_B, 9), jnp.float32),
        scratch_shapes=[
            pltpu.VMEM((_B, 8), jnp.float32),
            pltpu.VMEM((EMB, 2 * EMB), jnp.float32),
            pltpu.VMEM((2 * EMB, 8), jnp.float32),
            pltpu.VMEM((1, 2 * EMB), jnp.float32),
        ],
    )(w_e.reshape(_NBLK, 1, _BLK),
      ef, vec_t, ws1, bs1, wi1, bi1, w2, b2, rmat)


def kernel(edge_features, edge_vectors, edge_index_dst, batch_idx, batch_size,
           W_s1, b_s1, W_s2, b_s2, W_i1, b_i1, W_i2, b_i2):
    w_e = _sc_edge_weights(edge_index_dst.astype(jnp.int32),
                           batch_idx.astype(jnp.int32))
    w2 = jnp.zeros((8, 2 * EMB), jnp.float32)
    w2 = lax.dynamic_update_slice(w2, W_s2, (0, 0))
    w2 = lax.dynamic_update_slice(w2, W_i2, (1, EMB))
    b2 = jnp.stack([b_s2[0], b_i2[0]]).reshape(1, 2)
    stress = _tc_reduce(w_e, edge_features, edge_vectors.T,
                        W_s1, b_s1.reshape(1, EMB), W_i1, b_i1.reshape(1, EMB),
                        w2, b2, jnp.asarray(_R_PAD))
    stress = stress + (jnp.asarray(batch_size) - _B).astype(stress.dtype)
    return stress.reshape(_B, 3, 3)

# --- scband reference (transcript-rebuilt; emitter-appended) ---
"""Pipeline reference for scband-rank2-decomposition-edge-block-31791347925213 (READ-ONLY COPY).

The authoritative reference and input builder live on the scoring server;
editing this copy changes nothing except your own understanding.
"""

import jax, jax.numpy as jnp
import numpy as np

EMB = 128

_r3 = 3.0 ** (-0.5)
_r2 = 2.0 ** (-0.5)
_r6 = 6.0 ** (-0.5)
_CHANGE = np.array([
    [_r3, 0, 0, 0, _r3, 0, 0, 0, _r3],
    [0, 0, 0, 0, 0, _r2, 0, -_r2, 0],
    [0, 0, -_r2, 0, 0, 0, _r2, 0, 0],
    [0, _r2, 0, -_r2, 0, 0, 0, 0, 0],
    [0, 0, _r2, 0, 0, 0, _r2, 0, 0],
    [0, _r2, 0, _r2, 0, 0, 0, 0, 0],
    [-_r6, 0, 0, 0, 2 * _r6, 0, 0, 0, -_r6],
    [0, 0, 0, 0, 0, _r2, 0, _r2, 0],
    [-_r2, 0, 0, 0, 0, 0, 0, 0, _r2],
], dtype=np.float32)


def _sph2(v):
    # e3nn o3.spherical_harmonics(2, v, normalize=True, normalization='integral')
    u = v / jnp.linalg.norm(v, axis=-1, keepdims=True)
    x, y, z = u[..., 0], u[..., 1], u[..., 2]
    s3 = 3.0 ** 0.5
    sh = jnp.stack([
        s3 * x * z,
        s3 * x * y,
        y * y - 0.5 * (x * x + z * z),
        s3 * y * z,
        (s3 / 2.0) * (z * z - x * x),
    ], axis=-1)
    return sh * np.float32(np.sqrt(5.0 / (4.0 * np.pi)))


def _silu(x):
    return x * jax.nn.sigmoid(x)


def _scatter_mean(data, idx, size):
    s = jax.ops.segment_sum(data, idx, num_segments=size)
    cnt = jax.ops.segment_sum(jnp.ones((data.shape[0],), data.dtype), idx, num_segments=size)
    cnt = jnp.maximum(cnt, 1.0)
    return s / cnt.reshape((size,) + (1,) * (data.ndim - 1))


def setup_inputs(seed: int = 0):
    key = jax.random.key(seed)
    ks = jax.random.split(key, 12)
    E, N, B = 320000, 10000, 32
    lim = 1.0 / np.sqrt(EMB)
    return {
        'edge_features': jax.random.normal(ks[0], (E, EMB), jnp.float32),
        'edge_vectors': jax.random.normal(ks[1], (E, 3), jnp.float32),
        'edge_index_dst': jax.random.randint(ks[2], (E,), 0, N),
        'batch_idx': jnp.sort(jax.random.randint(ks[3], (N,), 0, B)),
        'batch_size': B,
        'W_s1': jax.random.uniform(ks[4], (EMB, EMB), jnp.float32, -lim, lim),
        'b_s1': jax.random.uniform(ks[5], (EMB,), jnp.float32, -lim, lim),
        'W_s2': jax.random.uniform(ks[6], (1, EMB), jnp.float32, -lim, lim),
        'b_s2': jax.random.uniform(ks[7], (1,), jnp.float32, -lim, lim),
        'W_i1': jax.random.uniform(ks[8], (EMB, EMB), jnp.float32, -lim, lim),
        'b_i1': jax.random.uniform(ks[9], (EMB,), jnp.float32, -lim, lim),
        'W_i2': jax.random.uniform(ks[10], (1, EMB), jnp.float32, -lim, lim),
        'b_i2': jax.random.uniform(ks[11], (1,), jnp.float32, -lim, lim),
    }


def reference(edge_features, edge_vectors, edge_index_dst, batch_idx, batch_size,
              W_s1, b_s1, W_s2, b_s2, W_i1, b_i1, W_i2, b_i2):
    B = 32
    sphere_irrep2 = jax.lax.stop_gradient(_sph2(edge_vectors))  # [E, 5], detached
    # edge_level=True branch
    edge_scalar = _silu(edge_features @ W_s1.T + b_s1)
    edge_scalar = edge_scalar @ W_s2.T + b_s2  # [E, 1]
    edge_irrep2 = _silu(edge_features @ W_i1.T + b_i1)
    edge_irrep2 = edge_irrep2 @ W_i2.T + b_i2  # [E, 1]
    edge_irrep2 = sphere_irrep2[:, :, None] * edge_irrep2[:, None, :]  # [E, 5, 1]
    N = batch_idx.shape[0]
    node_scalar = _scatter_mean(edge_scalar, edge_index_dst, N)  # [N, 1]
    node_irrep2 = _scatter_mean(edge_irrep2, edge_index_dst, N)  # [N, 5, 1]
    # extensive=False branch
    irrep2 = _scatter_mean(node_irrep2.reshape(-1, 5), batch_idx, B)  # [B, 5]
    scalar = _scatter_mean(node_scalar.reshape(-1), batch_idx, B)  # [B]
    vector = jnp.zeros((B, 3), scalar.dtype)
    flatten_irreps = jnp.concatenate([scalar.reshape(-1, 1), vector, irrep2], axis=1)  # [B, 9]
    # torch: einsum('ab,cb->ca', change_mat.T_registered, flat) == flat @ _CHANGE
    stress = flatten_irreps @ jnp.asarray(_CHANGE)
    stress = stress + (jnp.asarray(batch_size) - B).astype(stress.dtype)
    return stress.reshape(B, 3, 3)

if __name__ == "__main__":
    import jax
    _d = setup_inputs()
    print(jax.jit(kernel)(*tuple(_d.values())))

</pallas_src>

<mosaic_0001>
#map = affine_map<(d0, d1) -> (0)>
module attributes {stable_mosaic.version = 14 : i64} {
  func.func @sc_kernel(%arg0: i32, %arg1: i32, %arg2: memref<320000xi32, #tpu.memory_space<hbm>>, %arg3: memref<10000xi32, #tpu.memory_space<hbm>>, %arg4: memref<320000xf32, #tpu.memory_space<hbm>>, %arg5: memref<20000xi32, #tpu.memory_space<vmem>>, %arg6: memref<80x128xf32, #tpu.memory_space<vmem>>, %arg7: memref<10240xf32, #tpu.memory_space<vmem>>, %arg8: memref<10240xf32, #tpu.memory_space<vmem>>, %arg9: memref<10000xi32, #tpu.memory_space<vmem>>, %arg10: memref<32xf32, #tpu.memory_space<vmem>>, %arg11: memref<80xi32, #tpu.memory_space<vmem>>, %arg12: memref<10000xf32, #tpu.memory_space<vmem>>, %arg13: memref<80x128xf32, #tpu.memory_space<vmem_shared>>) attributes {dimension_semantics = [#tpu.dimension_semantics<core_parallel>, #tpu.dimension_semantics<subcore_parallel>], iteration_bounds = array<i64: 2, 16>, scalar_prefetch = 0 : i64, scratch_operands = 9 : i64, tpu.core_type = #tpu.core_type<sc_vector_subcore>, window_params = [{transform_indices = #map}, {transform_indices = #map}, {transform_indices = #map}]} {
    %iota3A = tpu.iota {dimensions = array<i32: 0>} : vector<16xi32>
    %broadcast_in_dim3A = arith.constant 0.000000e+00 : f32
    %broadcast_in_dim3A_0 = vector.broadcast %broadcast_in_dim3A : f32 to vector<16xf32>
    %broadcast_in_dim3A_1 = arith.constant 1.000000e+00 : f32
    %broadcast_in_dim3A_2 = vector.broadcast %broadcast_in_dim3A_1 : f32 to vector<16xf32>
    %scan3A = arith.constant 0 : i32
    %scan3A_3 = arith.constant 0 : i32
    %scan3A_4 = arith.constant 80 : i32
    %scan3A_5 = arith.addi %scan3A_3, %scan3A_4 : i32
    %scan3A_6 = arith.constant 1 : i32
    scf.for %scan3A_82 = %scan3A_3 to %scan3A_5 step %scan3A_6  : i32 {
      %swap3A_83 = arith.index_cast %scan3A_82 : i32 to index
      %swap3A_84 = arith.constant 0 : index
      %swap3A_85 = tpu.vector_load %arg6[%swap3A_83, %swap3A_84] {strides = array<i32>} : memref<80x128xf32, #tpu.memory_space<vmem>>, vector<16xf32>,
      tpu.vector_store %arg6[%swap3A_83, %swap3A_84], %broadcast_in_dim3A_0 {strides = array<i32>} : memref<80x128xf32, #tpu.memory_space<vmem>>, vector<16xf32>,
      %mul3A_86 = arith.constant 128 : i32
      %mul3A_87 = arith.muli %scan3A_82, %mul3A_86 : i32
      %add3A_88 = arith.constant 0 : i32
      %add3A_89 = arith.addi %mul3A_87, %add3A_88 : i32
      %swap3A_90 = arith.index_cast %add3A_89 : i32 to index
      %swap3A_91 = tpu.vector_load %arg7[%swap3A_90] {strides = array<i32>} : memref<10240xf32, #tpu.memory_space<vmem>>, vector<16xf32>,
      tpu.vector_store %arg7[%swap3A_90], %broadcast_in_dim3A_0 {strides = array<i32>} : memref<10240xf32, #tpu.memory_space<vmem>>, vector<16xf32>,
      %swap3A_92 = arith.index_cast %scan3A_82 : i32 to index
      %swap3A_93 = arith.constant 16 : index
      %swap3A_94 = tpu.vector_load %arg6[%swap3A_92, %swap3A_93] {strides = array<i32>} : memref<80x128xf32, #tpu.memory_space<vmem>>, vector<16xf32>,
      tpu.vector_store %arg6[%swap3A_92, %swap3A_93], %broadcast_in_dim3A_0 {strides = array<i32>} : memref<80x128xf32, #tpu.memory_space<vmem>>, vector<16xf32>,
      %mul3A_95 = arith.constant 128 : i32
      %mul3A_96 = arith.muli %scan3A_82, %mul3A_95 : i32
      %add3A_97 = arith.constant 16 : i32
      %add3A_98 = arith.addi %mul3A_96, %add3A_97 : i32
      %swap3A_99 = arith.index_cast %add3A_98 : i32 to index
      %swap3A_100 = tpu.vector_load %arg7[%swap3A_99] {strides = array<i32>} : memref<10240xf32, #tpu.memory_space<vmem>>, vector<16xf32>,
      tpu.vector_store %arg7[%swap3A_99], %broadcast_in_dim3A_0 {strides = array<i32>} : memref<10240xf32, #tpu.memory_space<vmem>>, vector<16xf32>,
      %swap3A_101 = arith.index_cast %scan3A_82 : i32 to index
      %swap3A_102 = arith.constant 32 : index
      %swap3A_103 = tpu.vector_load %arg6[%swap3A_101, %swap3A_102] {strides = array<i32>} : memref<80x128xf32, #tpu.memory_space<vmem>>, vector<16xf32>,
      tpu.vector_store %arg6[%swap3A_101, %swap3A_102], %broadcast_in_dim3A_0 {strides = array<i32>} : memref<80x128xf32, #tpu.memory_space<vmem>>, vector<16xf32>,
      %mul3A_104 = arith.constant 128 : i32
      %mul3A_105 = arith.muli %scan3A_82, %mul3A_104 : i32
      %add3A_106 = arith.constant 32 : i32
      %add3A_107 = arith.addi %mul3A_105, %add3A_106 : i32
      %swap3A_108 = arith.index_cast %add3A_107 : i32 to index
      %swap3A_109 = tpu.vector_load %arg7[%swap3A_108] {strides = array<i32>} : memref<10240xf32, #tpu.memory_space<vmem>>, vector<16xf32>,
      tpu.vector_store %arg7[%swap3A_108], %broadcast_in_dim3A_0 {strides = array<i32>} : memref<10240xf32, #tpu.memory_space<vmem>>, vector<16xf32>,
      %swap3A_110 = arith.index_cast %scan3A_82 : i32 to index
      %swap3A_111 = arith.constant 48 : index
      %swap3A_112 = tpu.vector_load %arg6[%swap3A_110, %swap3A_111] {strides = array<i32>} : memref<80x128xf32, #tpu.memory_space<vmem>>, vector<16xf32>,
      tpu.vector_store %arg6[%swap3A_110, %swap3A_111], %broadcast_in_dim3A_0 {strides = array<i32>} : memref<80x128xf32, #tpu.memory_space<vmem>>, vector<16xf32>,
      %mul3A_113 = arith.constant 128 : i32
      %mul3A_114 = arith.muli %scan3A_82, %mul3A_113 : i32
      %add3A_115 = arith.constant 48 : i32
      %add3A_116 = arith.addi %mul3A_114, %add3A_115 : i32
      %swap3A_117 = arith.index_cast %add3A_116 : i32 to index
      %swap3A_118 = tpu.vector_load %arg7[%swap3A_117] {strides = array<i32>} : memref<10240xf32, #tpu.memory_space<vmem>>, vector<16xf32>,
      tpu.vector_store %arg7[%swap3A_117], %broadcast_in_dim3A_0 {strides = array<i32>} : memref<10240xf32, #tpu.memory_space<vmem>>, vector<16xf32>,
      %swap3A_119 = arith.index_cast %scan3A_82 : i32 to index
      %swap3A_120 = arith.constant 64 : index
      %swap3A_121 = tpu.vector_load %arg6[%swap3A_119, %swap3A_120] {strides = array<i32>} : memref<80x128xf32, #tpu.memory_space<vmem>>, vector<16xf32>,
      tpu.vector_store %arg6[%swap3A_119, %swap3A_120], %broadcast_in_dim3A_0 {strides = array<i32>} : memref<80x128xf32, #tpu.memory_space<vmem>>, vector<16xf32>,
      %mul3A_122 = arith.constant 128 : i32
      %mul3A_123 = arith.muli %scan3A_82, %mul3A_122 : i32
      %add3A_124 = arith.constant 64 : i32
      %add3A_125 = arith.addi %mul3A_123, %add3A_124 : i32
      %swap3A_126 = arith.index_cast %add3A_125 : i32 to index
      %swap3A_127 = tpu.vector_load %arg7[%swap3A_126] {strides = array<i32>} : memref<10240xf32, #tpu.memory_space<vmem>>, vector<16xf32>,
      tpu.vector_store %arg7[%swap3A_126], %broadcast_in_dim3A_0 {strides = array<i32>} : memref<10240xf32, #tpu.memory_space<vmem>>, vector<16xf32>,
      %swap3A_128 = arith.index_cast %scan3A_82 : i32 to index
      %swap3A_129 = arith.constant 80 : index
      %swap3A_130 = tpu.vector_load %arg6[%swap3A_128, %swap3A_129] {strides = array<i32>} : memref<80x128xf32, #tpu.memory_space<vmem>>, vector<16xf32>,
      tpu.vector_store %arg6[%swap3A_128, %swap3A_129], %broadcast_in_dim3A_0 {strides = array<i32>} : memref<80x128xf32, #tpu.memory_space<vmem>>, vector<16xf32>,
      %mul3A_131 = arith.constant 128 : i32
      %mul3A_132 = arith.muli %scan3A_82, %mul3A_131 : i32
      %add3A_133 = arith.constant 80 : i32
      %add3A_134 = arith.addi %mul3A_132, %add3A_133 : i32
      %swap3A_135 = arith.index_cast %add3A_134 : i32 to index
      %swap3A_136 = tpu.vector_load %arg7[%swap3A_135] {strides = array<i32>} : memref<10240xf32, #tpu.memory_space<vmem>>, vector<16xf32>,
      tpu.vector_store %arg7[%swap3A_135], %broadcast_in_dim3A_0 {strides = array<i32>} : memref<10240xf32, #tpu.memory_space<vmem>>, vector<16xf32>,
      %swap3A_137 = arith.index_cast %scan3A_82 : i32 to index
      %swap3A_138 = arith.constant 96 : index
      %swap3A_139 = tpu.vector_load %arg6[%swap3A_137, %swap3A_138] {strides = array<i32>} : memref<80x128xf32, #tpu.memory_space<vmem>>, vector<16xf32>,
      tpu.vector_store %arg6[%swap3A_137, %swap3A_138], %broadcast_in_dim3A_0 {strides = array<i32>} : memref<80x128xf32, #tpu.memory_space<vmem>>, vector<16xf32>,
      %mul3A_140 = arith.constant 128 : i32
      %mul3A_141 = arith.muli %scan3A_82, %mul3A_140 : i32
      %add3A_142 = arith.constant 96 : i32
      %add3A_143 = arith.addi %mul3A_141, %add3A_142 : i32
      %swap3A_144 = arith.index_cast %add3A_143 : i32 to index
      %swap3A_145 = tpu.vector_load %arg7[%swap3A_144] {strides = array<i32>} : memref<10240xf32, #tpu.memory_space<vmem>>, vector<16xf32>,
      tpu.vector_store %arg7[%swap3A_144], %broadcast_in_dim3A_0 {strides = array<i32>} : memref<10240xf32, #tpu.memory_space<vmem>>, vector<16xf32>,
      %swap3A_146 = arith.index_cast %scan3A_82 : i32 to index
      %swap3A_147 = arith.constant 112 : index
      %swap3A_148 = tpu.vector_load %arg6[%swap3A_146, %swap3A_147] {strides = array<i32>} : memref<80x128xf32, #tpu.memory_space<vmem>>, vector<16xf32>,
      tpu.vector_store %arg6[%swap3A_146, %swap3A_147], %broadcast_in_dim3A_0 {strides = array<i32>} : memref<80x128xf32, #tpu.memory_space<vmem>>, vector<16xf32>,
      %mul3A_149 = arith.constant 128 : i32
      %mul3A_150 = arith.muli %scan3A_82, %mul3A_149 : i32
      %add3A_151 = arith.constant 112 : i32
      %add3A_152 = arith.addi %mul3A_150, %add3A_151 : i32
      %swap3A_153 = arith.index_cast %add3A_152 : i32 to index
      %swap3A_154 = tpu.vector_load %arg7[%swap3A_153] {strides = array<i32>} : memref<10240xf32, #tpu.memory_space<vmem>>, vector<16xf32>,
      tpu.vector_store %arg7[%swap3A_153], %broadcast_in_dim3A_0 {strides = array<i32>} : memref<10240xf32, #tpu.memory_space<vmem>>, vector<16xf32>,
    }
    %scan3A_7 = arith.constant 80 : i32
    %eq3A = arith.constant 0 : i32
    %eq3A_8 = arith.cmpi eq, %arg1, %eq3A : i32
    %convert_element_type3A = arith.extui %eq3A_8 : i1 to i32
    %cond3A = arith.constant 0 : i32
    %cond3A_9 = arith.cmpi ne, %convert_element_type3A, %cond3A : i32
    scf.if %cond3A_9 {
      "tpu.region"() ({
        %run_scoped3A = tpu.sem_alloc : memref<!tpu.dma_semaphore, #tpu.memory_space<semaphore_mem>>
        tpu.enqueue_dma source(%arg6 : memref<80x128xf32, #tpu.memory_space<vmem>>) target(%arg13 : memref<80x128xf32, #tpu.memory_space<vmem_shared>>) target_semaphore(%run_scoped3A : memref<!tpu.dma_semaphore, #tpu.memory_space<semaphore_mem>>)
        tpu.wait_dma2 semaphore(%run_scoped3A : memref<!tpu.dma_semaphore, #tpu.memory_space<semaphore_mem>>) src(%arg6 : memref<80x128xf32, #tpu.memory_space<vmem>>) dst(%arg13 : memref<80x128xf32, #tpu.memory_space<vmem_shared>>)
        tpu.yield
      }) : () -> ()
    } else {
    }
    %mul3A = arith.constant 20000 : i32
    %mul3A_10 = arith.muli %arg1, %mul3A : i32
    "tpu.region"() ({
      %run_scoped3A = tpu.sem_alloc : memref<!tpu.dma_semaphore, #tpu.memory_space<semaphore_mem>>
      %dma_start3A = tpu.memref_slice %arg2[%mul3A_10] : memref<320000xi32, #tpu.memory_space<hbm>> -> memref<20000xi32, #tpu.memory_space<hbm>>
      %dma_start3A_82 = tpu.memref_slice %arg2[%mul3A_10] : memref<320000xi32, #tpu.memory_space<hbm>> -> memref<20000xi32, #tpu.memory_space<hbm>>
      tpu.enqueue_dma source(%dma_start3A_82 : memref<20000xi32, #tpu.memory_space<hbm>>) target(%arg5 : memref<20000xi32, #tpu.memory_space<vmem>>) target_semaphore(%run_scoped3A : memref<!tpu.dma_semaphore, #tpu.memory_space<semaphore_mem>>)
      %dma_wait3A = tpu.memref_slice %arg2[%mul3A_10] : memref<320000xi32, #tpu.memory_space<hbm>> -> memref<20000xi32, #tpu.memory_space<hbm>>
      %dma_wait3A_83 = tpu.memref_slice %arg2[%mul3A_10] : memref<320000xi32, #tpu.memory_space<hbm>> -> memref<20000xi32, #tpu.memory_space<hbm>>
      tpu.wait_dma2 semaphore(%run_scoped3A : memref<!tpu.dma_semaphore, #tpu.memory_space<semaphore_mem>>) src(%dma_wait3A_83 : memref<20000xi32, #tpu.memory_space<hbm>>) dst(%arg5 : memref<20000xi32, #tpu.memory_space<vmem>>)
      tpu.yield
    }) : () -> ()
    %barrier3A = arith.constant 0 : index
    tpu.barrier barrier_id(%barrier3A)
    %scan3A_11 = arith.constant 0 : i32
    %scan3A_12 = arith.constant 0 : i32
    %scan3A_13 = arith.constant 250 : i32
    %scan3A_14 = arith.addi %scan3A_12, %scan3A_13 : i32
    %scan3A_15 = arith.constant 1 : i32
    scf.for %scan3A_82 = %scan3A_12 to %scan3A_14 step %scan3A_15  : i32 {
      %mul3A_83 = arith.constant 80 : i32
      %mul3A_84 = arith.muli %scan3A_82, %mul3A_83 : i32
      %add3A_85 = arith.constant 0 : i32
      %add3A_86 = arith.addi %mul3A_84, %add3A_85 : i32
      %get3A = arith.index_cast %add3A_86 : i32 to index
      %get3A_87 = tpu.vector_load %arg5[%get3A] {strides = array<i32>} : memref<20000xi32, #tpu.memory_space<vmem>>, vector<16xi32>,
      tpu.vector_store_idx %arg7[%get3A_87], %broadcast_in_dim3A_2 {add = true} : memref<10240xf32, #tpu.memory_space<vmem>>[vector<16xi32>], vector<16xf32>,
      %add3A_88 = arith.constant 16 : i32
      %add3A_89 = arith.addi %mul3A_84, %add3A_88 : i32
      %get3A_90 = arith.index_cast %add3A_89 : i32 to index
      %get3A_91 = tpu.vector_load %arg5[%get3A_90] {strides = array<i32>} : memref<20000xi32, #tpu.memory_space<vmem>>, vector<16xi32>,
      tpu.vector_store_idx %arg7[%get3A_91], %broadcast_in_dim3A_2 {add = true} : memref<10240xf32, #tpu.memory_space<vmem>>[vector<16xi32>], vector<16xf32>,
      %add3A_92 = arith.constant 32 : i32
      %add3A_93 = arith.addi %mul3A_84, %add3A_92 : i32
      %get3A_94 = arith.index_cast %add3A_93 : i32 to index
      %get3A_95 = tpu.vector_load %arg5[%get3A_94] {strides = array<i32>} : memref<20000xi32, #tpu.memory_space<vmem>>, vector<16xi32>,
      tpu.vector_store_idx %arg7[%get3A_95], %broadcast_in_dim3A_2 {add = true} : memref<10240xf32, #tpu.memory_space<vmem>>[vector<16xi32>], vector<16xf32>,
      %add3A_96 = arith.constant 48 : i32
      %add3A_97 = arith.addi %mul3A_84, %add3A_96 : i32
      %get3A_98 = arith.index_cast %add3A_97 : i32 to index
      %get3A_99 = tpu.vector_load %arg5[%get3A_98] {strides = array<i32>} : memref<20000xi32, #tpu.memory_space<vmem>>, vector<16xi32>,
      tpu.vector_store_idx %arg7[%get3A_99], %broadcast_in_dim3A_2 {add = true} : memref<10240xf32, #tpu.memory_space<vmem>>[vector<16xi32>], vector<16xf32>,
      %add3A_100 = arith.constant 64 : i32
      %add3A_101 = arith.addi %mul3A_84, %add3A_100 : i32
      %get3A_102 = arith.index_cast %add3A_101 : i32 to index
      %get3A_103 = tpu.vector_load %arg5[%get3A_102] {strides = array<i32>} : memref<20000xi32, #tpu.memory_space<vmem>>, vector<16xi32>,
      tpu.vector_store_idx %arg7[%get3A_103], %broadcast_in_dim3A_2 {add = true} : memref<10240xf32, #tpu.memory_space<vmem>>[vector<16xi32>], vector<16xf32>,
    }
    %scan3A_16 = arith.constant 250 : i32
    %scan3A_17 = arith.constant 0 : i32
    %scan3A_18 = arith.constant 0 : i32
    %scan3A_19 = arith.constant 80 : i32
    %scan3A_20 = arith.addi %scan3A_18, %scan3A_19 : i32
    %scan3A_21 = arith.constant 1 : i32
    scf.for %scan3A_82 = %scan3A_18 to %scan3A_20 step %scan3A_21  : i32 {
      %mul3A_83 = arith.constant 128 : i32
      %mul3A_84 = arith.muli %scan3A_82, %mul3A_83 : i32
      %add3A_85 = arith.constant 0 : i32
      %add3A_86 = arith.addi %mul3A_84, %add3A_85 : i32
      %get3A = arith.index_cast %add3A_86 : i32 to index
      %get3A_87 = tpu.vector_load %arg7[%get3A] {strides = array<i32>} : memref<10240xf32, #tpu.memory_space<vmem>>, vector<16xf32>,
      %swap3A_88 = arith.index_cast %scan3A_82 : i32 to index
      %swap3A_89 = arith.constant 0 : index
      %swap3A_90 = tpu.vector_load %arg6[%swap3A_88, %swap3A_89] {strides = array<i32>} : memref<80x128xf32, #tpu.memory_space<vmem>>, vector<16xf32>,
      tpu.vector_store %arg6[%swap3A_88, %swap3A_89], %get3A_87 {strides = array<i32>} : memref<80x128xf32, #tpu.memory_space<vmem>>, vector<16xf32>,
      %mul3A_91 = arith.constant 128 : i32
      %mul3A_92 = arith.muli %scan3A_82, %mul3A_91 : i32
      %add3A_93 = arith.constant 16 : i32
      %add3A_94 = arith.addi %mul3A_92, %add3A_93 : i32
      %get3A_95 = arith.index_cast %add3A_94 : i32 to index
      %get3A_96 = tpu.vector_load %arg7[%get3A_95] {strides = array<i32>} : memref<10240xf32, #tpu.memory_space<vmem>>, vector<16xf32>,
      %swap3A_97 = arith.index_cast %scan3A_82 : i32 to index
      %swap3A_98 = arith.constant 16 : index
      %swap3A_99 = tpu.vector_load %arg6[%swap3A_97, %swap3A_98] {strides = array<i32>} : memref<80x128xf32, #tpu.memory_space<vmem>>, vector<16xf32>,
      tpu.vector_store %arg6[%swap3A_97, %swap3A_98], %get3A_96 {strides = array<i32>} : memref<80x128xf32, #tpu.memory_space<vmem>>, vector<16xf32>,
      %mul3A_100 = arith.constant 128 : i32
      %mul3A_101 = arith.muli %scan3A_82, %mul3A_100 : i32
      %add3A_102 = arith.constant 32 : i32
      %add3A_103 = arith.addi %mul3A_101, %add3A_102 : i32
      %get3A_104 = arith.index_cast %add3A_103 : i32 to index
      %get3A_105 = tpu.vector_load %arg7[%get3A_104] {strides = array<i32>} : memref<10240xf32, #tpu.memory_space<vmem>>, vector<16xf32>,
      %swap3A_106 = arith.index_cast %scan3A_82 : i32 to index
      %swap3A_107 = arith.constant 32 : index
      %swap3A_108 = tpu.vector_load %arg6[%swap3A_106, %swap3A_107] {strides = array<i32>} : memref<80x128xf32, #tpu.memory_space<vmem>>, vector<16xf32>,
      tpu.vector_store %arg6[%swap3A_106, %swap3A_107], %get3A_105 {strides = array<i32>} : memref<80x128xf32, #tpu.memory_space<vmem>>, vector<16xf32>,
      %mul3A_109 = arith.constant 128 : i32
      %mul3A_110 = arith.muli %scan3A_82, %mul3A_109 : i32
      %add3A_111 = arith.constant 48 : i32
      %add3A_112 = arith.addi %mul3A_110, %add3A_111 : i32
      %get3A_113 = arith.index_cast %add3A_112 : i32 to index
      %get3A_114 = tpu.vector_load %arg7[%get3A_113] {strides = array<i32>} : memref<10240xf32, #tpu.memory_space<vmem>>, vector<16xf32>,
      %swap3A_115 = arith.index_cast %scan3A_82 : i32 to index
      %swap3A_116 = arith.constant 48 : index
      %swap3A_117 = tpu.vector_load %arg6[%swap3A_115, %swap3A_116] {strides = array<i32>} : memref<80x128xf32, #tpu.memory_space<vmem>>, vector<16xf32>,
      tpu.vector_store %arg6[%swap3A_115, %swap3A_116], %get3A_114 {strides = array<i32>} : memref<80x128xf32, #tpu.memory_space<vmem>>, vector<16xf32>,
      %mul3A_118 = arith.constant 128 : i32
      %mul3A_119 = arith.muli %scan3A_82, %mul3A_118 : i32
      %add3A_120 = arith.constant 64 : i32
      %add3A_121 = arith.addi %mul3A_119, %add3A_120 : i32
      %get3A_122 = arith.index_cast %add3A_121 : i32 to index
      %get3A_123 = tpu.vector_load %arg7[%get3A_122] {strides = array<i32>} : memref<10240xf32, #tpu.memory_space<vmem>>, vector<16xf32>,
      %swap3A_124 = arith.index_cast %scan3A_82 : i32 to index
      %swap3A_125 = arith.constant 64 : index
      %swap3A_126 = tpu.vector_load %arg6[%swap3A_124, %swap3A_125] {strides = array<i32>} : memref<80x128xf32, #tpu.memory_space<vmem>>, vector<16xf32>,
      tpu.vector_store %arg6[%swap3A_124, %swap3A_125], %get3A_123 {strides = array<i32>} : memref<80x128xf32, #tpu.memory_space<vmem>>, vector<16xf32>,
      %mul3A_127 = arith.constant 128 : i32
      %mul3A_128 = arith.muli %scan3A_82, %mul3A_127 : i32
      %add3A_129 = arith.constant 80 : i32
      %add3A_130 = arith.addi %mul3A_128, %add3A_129 : i32
      %get3A_131 = arith.index_cast %add3A_130 : i32 to index
      %get3A_132 = tpu.vector_load %arg7[%get3A_131] {strides = array<i32>} : memref<10240xf32, #tpu.memory_space<vmem>>, vector<16xf32>,
      %swap3A_133 = arith.index_cast %scan3A_82 : i32 to index
      %swap3A_134 = arith.constant 80 : index
      %swap3A_135 = tpu.vector_load %arg6[%swap3A_133, %swap3A_134] {strides = array<i32>} : memref<80x128xf32, #tpu.memory_space<vmem>>, vector<16xf32>,
      tpu.vector_store %arg6[%swap3A_133, %swap3A_134], %get3A_132 {strides = array<i32>} : memref<80x128xf32, #tpu.memory_space<vmem>>, vector<16xf32>,
      %mul3A_136 = arith.constant 128 : i32
      %mul3A_137 = arith.muli %scan3A_82, %mul3A_136 : i32
      %add3A_138 = arith.constant 96 : i32
      %add3A_139 = arith.addi %mul3A_137, %add3A_138 : i32
      %get3A_140 = arith.index_cast %add3A_139 : i32 to index
      %get3A_141 = tpu.vector_load %arg7[%get3A_140] {strides = array<i32>} : memref<10240xf32, #tpu.memory_space<vmem>>, vector<16xf32>,
      %swap3A_142 = arith.index_cast %scan3A_82 : i32 to index
      %swap3A_143 = arith.constant 96 : index
      %swap3A_144 = tpu.vector_load %arg6[%swap3A_142, %swap3A_143] {strides = array<i32>} : memref<80x128xf32, #tpu.memory_space<vmem>>, vector<16xf32>,
      tpu.vector_store %arg6[%swap3A_142, %swap3A_143], %get3A_141 {strides = array<i32>} : memref<80x128xf32, #tpu.memory_space<vmem>>, vector<16xf32>,
      %mul3A_145 = arith.constant 128 : i32
      %mul3A_146 = arith.muli %scan3A_82, %mul3A_145 : i32
      %add3A_147 = arith.constant 112 : i32
      %add3A_148 = arith.addi %mul3A_146, %add3A_147 : i32
      %get3A_149 = arith.index_cast %add3A_148 : i32 to index
      %get3A_150 = tpu.vector_load %arg7[%get3A_149] {strides = array<i32>} : memref<10240xf32, #tpu.memory_space<vmem>>, vector<16xf32>,
      %swap3A_151 = arith.index_cast %scan3A_82 : i32 to index
      %swap3A_152 = arith.constant 112 : index
      %swap3A_153 = tpu.vector_load %arg6[%swap3A_151, %swap3A_152] {strides = array<i32>} : memref<80x128xf32, #tpu.memory_space<vmem>>, vector<16xf32>,
      tpu.vector_store %arg6[%swap3A_151, %swap3A_152], %get3A_150 {strides = array<i32>} : memref<80x128xf32, #tpu.memory_space<vmem>>, vector<16xf32>,
    }
    %scan3A_22 = arith.constant 80 : i32
    %add3A = arith.constant 0 : i32
    %add3A_23 = vector.broadcast %add3A : i32 to vector<16xi32>
    %add3A_24 = arith.addi %add3A_23, %iota3A : vector<16xi32>
    %swap3A = arith.constant 0 : index
    %swap3A_25 = tpu.vector_load %arg11[%swap3A] {strides = array<i32>} : memref<80xi32, #tpu.memory_space<vmem>>, vector<16xi32>,
    tpu.vector_store %arg11[%swap3A], %add3A_24 {strides = array<i32>} : memref<80xi32, #tpu.memory_space<vmem>>, vector<16xi32>,
    %add3A_26 = arith.constant 16 : i32
    %add3A_27 = vector.broadcast %add3A_26 : i32 to vector<16xi32>
    %add3A_28 = arith.addi %add3A_27, %iota3A : vector<16xi32>
    %swap3A_29 = arith.constant 16 : index
    %swap3A_30 = tpu.vector_load %arg11[%swap3A_29] {strides = array<i32>} : memref<80xi32, #tpu.memory_space<vmem>>, vector<16xi32>,
    tpu.vector_store %arg11[%swap3A_29], %add3A_28 {strides = array<i32>} : memref<80xi32, #tpu.memory_space<vmem>>, vector<16xi32>,
    %add3A_31 = arith.constant 32 : i32
    %add3A_32 = vector.broadcast %add3A_31 : i32 to vector<16xi32>
    %add3A_33 = arith.addi %add3A_32, %iota3A : vector<16xi32>
    %swap3A_34 = arith.constant 32 : index
    %swap3A_35 = tpu.vector_load %arg11[%swap3A_34] {strides = array<i32>} : memref<80xi32, #tpu.memory_space<vmem>>, vector<16xi32>,
    tpu.vector_store %arg11[%swap3A_34], %add3A_33 {strides = array<i32>} : memref<80xi32, #tpu.memory_space<vmem>>, vector<16xi32>,
    %add3A_36 = arith.constant 48 : i32
    %add3A_37 = vector.broadcast %add3A_36 : i32 to vector<16xi32>
    %add3A_38 = arith.addi %add3A_37, %iota3A : vector<16xi32>
    %swap3A_39 = arith.constant 48 : index
    %swap3A_40 = tpu.vector_load %arg11[%swap3A_39] {strides = array<i32>} : memref<80xi32, #tpu.memory_space<vmem>>, vector<16xi32>,
    tpu.vector_store %arg11[%swap3A_39], %add3A_38 {strides = array<i32>} : memref<80xi32, #tpu.memory_space<vmem>>, vector<16xi32>,
    %add3A_41 = arith.constant 64 : i32
    %add3A_42 = vector.broadcast %add3A_41 : i32 to vector<16xi32>
    %add3A_43 = arith.addi %add3A_42, %iota3A : vector<16xi32>
    %swap3A_44 = arith.constant 64 : index
    %swap3A_45 = tpu.vector_load %arg11[%swap3A_44] {strides = array<i32>} : memref<80xi32, #tpu.memory_space<vmem>>, vector<16xi32>,
    tpu.vector_store %arg11[%swap3A_44], %add3A_43 {strides = array<i32>} : memref<80xi32, #tpu.memory_space<vmem>>, vector<16xi32>,
    "tpu.region"() ({
      %run_scoped3A = tpu.sem_alloc : memref<!tpu.dma_semaphore, #tpu.memory_space<semaphore_mem>>
      %dma_start3A = arith.constant 0 : i32
      %dma_start3A_82 = arith.constant 0 : i32
      %dma_start3A_83 = tpu.memref_slice %arg13[%dma_start3A, %dma_start3A_82] : memref<80x128xf32, #tpu.memory_space<vmem_shared>> -> memref<80x128xf32, #tpu.memory_space<vmem_shared>>
      tpu.enqueue_indirect_dma source(%arg6 : memref<80x128xf32, #tpu.memory_space<vmem>>) target(%dma_start3A_83 : memref<80x128xf32, #tpu.memory_space<vmem_shared>>) offsets(%arg11 : memref<80xi32, #tpu.memory_space<vmem>>) semaphore(%run_scoped3A : memref<!tpu.dma_semaphore, #tpu.memory_space<semaphore_mem>>) {add = true}
      %dma_wait3A = arith.constant 0 : i32
      %dma_wait3A_84 = arith.constant 0 : i32
      %dma_wait3A_85 = tpu.memref_slice %arg13[%dma_wait3A, %dma_wait3A_84] : memref<80x128xf32, #tpu.memory_space<vmem_shared>> -> memref<80x128xf32, #tpu.memory_space<vmem_shared>>
      tpu.wait_indirect_dma semaphore(%run_scoped3A : memref<!tpu.dma_semaphore, #tpu.memory_space<semaphore_mem>>) src(%arg6 : memref<80x128xf32, #tpu.memory_space<vmem>>) dst(%dma_wait3A_85 : memref<80x128xf32, #tpu.memory_space<vmem_shared>>)
      tpu.yield
    }) : () -> ()
    %barrier3A_46 = arith.constant 0 : index
    tpu.barrier barrier_id(%barrier3A_46)
    "tpu.region"() ({
      %run_scoped3A = tpu.sem_alloc : memref<!tpu.dma_semaphore, #tpu.memory_space<semaphore_mem>>
      tpu.enqueue_dma source(%arg13 : memref<80x128xf32, #tpu.memory_space<vmem_shared>>) target(%arg6 : memref<80x128xf32, #tpu.memory_space<vmem>>) target_semaphore(%run_scoped3A : memref<!tpu.dma_semaphore, #tpu.memory_space<semaphore_mem>>)
      tpu.wait_dma2 semaphore(%run_scoped3A : memref<!tpu.dma_semaphore, #tpu.memory_space<semaphore_mem>>) src(%arg13 : memref<80x128xf32, #tpu.memory_space<vmem_shared>>) dst(%arg6 : memref<80x128xf32, #tpu.memory_space<vmem>>)
      tpu.yield
    }) : () -> ()
    %scan3A_47 = arith.constant 0 : i32
    %scan3A_48 = arith.constant 0 : i32
    %scan3A_49 = arith.constant 80 : i32
    %scan3A_50 = arith.addi %scan3A_48, %scan3A_49 : i32
    %scan3A_51 = arith.constant 1 : i32
    scf.for %scan3A_82 = %scan3A_48 to %scan3A_50 step %scan3A_51  : i32 {
      %get3A = arith.index_cast %scan3A_82 : i32 to index
      %get3A_83 = arith.constant 0 : index
      %get3A_84 = tpu.vector_load %arg6[%get3A, %get3A_83] {strides = array<i32>} : memref<80x128xf32, #tpu.memory_space<vmem>>, vector<16xf32>,
      %mul3A_85 = arith.constant 128 : i32
      %mul3A_86 = arith.muli %scan3A_82, %mul3A_85 : i32
      %add3A_87 = arith.constant 0 : i32
      %add3A_88 = arith.addi %mul3A_86, %add3A_87 : i32
      %swap3A_89 = arith.index_cast %add3A_88 : i32 to index
      %swap3A_90 = tpu.vector_load %arg7[%swap3A_89] {strides = array<i32>} : memref<10240xf32, #tpu.memory_space<vmem>>, vector<16xf32>,
      tpu.vector_store %arg7[%swap3A_89], %get3A_84 {strides = array<i32>} : memref<10240xf32, #tpu.memory_space<vmem>>, vector<16xf32>,
      %get3A_91 = arith.index_cast %scan3A_82 : i32 to index
      %get3A_92 = arith.constant 16 : index
      %get3A_93 = tpu.vector_load %arg6[%get3A_91, %get3A_92] {strides = array<i32>} : memref<80x128xf32, #tpu.memory_space<vmem>>, vector<16xf32>,
      %mul3A_94 = arith.constant 128 : i32
      %mul3A_95 = arith.muli %scan3A_82, %mul3A_94 : i32
      %add3A_96 = arith.constant 16 : i32
      %add3A_97 = arith.addi %mul3A_95, %add3A_96 : i32
      %swap3A_98 = arith.index_cast %add3A_97 : i32 to index
      %swap3A_99 = tpu.vector_load %arg7[%swap3A_98] {strides = array<i32>} : memref<10240xf32, #tpu.memory_space<vmem>>, vector<16xf32>,
      tpu.vector_store %arg7[%swap3A_98], %get3A_93 {strides = array<i32>} : memref<10240xf32, #tpu.memory_space<vmem>>, vector<16xf32>,
      %get3A_100 = arith.index_cast %scan3A_82 : i32 to index
      %get3A_101 = arith.constant 32 : index
      %get3A_102 = tpu.vector_load %arg6[%get3A_100, %get3A_101] {strides = array<i32>} : memref<80x128xf32, #tpu.memory_space<vmem>>, vector<16xf32>,
      %mul3A_103 = arith.constant 128 : i32
      %mul3A_104 = arith.muli %scan3A_82, %mul3A_103 : i32
      %add3A_105 = arith.constant 32 : i32
      %add3A_106 = arith.addi %mul3A_104, %add3A_105 : i32
      %swap3A_107 = arith.index_cast %add3A_106 : i32 to index
      %swap3A_108 = tpu.vector_load %arg7[%swap3A_107] {strides = array<i32>} : memref<10240xf32, #tpu.memory_space<vmem>>, vector<16xf32>,
      tpu.vector_store %arg7[%swap3A_107], %get3A_102 {strides = array<i32>} : memref<10240xf32, #tpu.memory_space<vmem>>, vector<16xf32>,
      %get3A_109 = arith.index_cast %scan3A_82 : i32 to index
      %get3A_110 = arith.constant 48 : index
      %get3A_111 = tpu.vector_load %arg6[%get3A_109, %get3A_110] {strides = array<i32>} : memref<80x128xf32, #tpu.memory_space<vmem>>, vector<16xf32>,
      %mul3A_112 = arith.constant 128 : i32
      %mul3A_113 = arith.muli %scan3A_82, %mul3A_112 : i32
      %add3A_114 = arith.constant 48 : i32
      %add3A_115 = arith.addi %mul3A_113, %add3A_114 : i32
      %swap3A_116 = arith.index_cast %add3A_115 : i32 to index
      %swap3A_117 = tpu.vector_load %arg7[%swap3A_116] {strides = array<i32>} : memref<10240xf32, #tpu.memory_space<vmem>>, vector<16xf32>,
      tpu.vector_store %arg7[%swap3A_116], %get3A_111 {strides = array<i32>} : memref<10240xf32, #tpu.memory_space<vmem>>, vector<16xf32>,
      %get3A_118 = arith.index_cast %scan3A_82 : i32 to index
      %get3A_119 = arith.constant 64 : index
      %get3A_120 = tpu.vector_load %arg6[%get3A_118, %get3A_119] {strides = array<i32>} : memref<80x128xf32, #tpu.memory_space<vmem>>, vector<16xf32>,
      %mul3A_121 = arith.constant 128 : i32
      %mul3A_122 = arith.muli %scan3A_82, %mul3A_121 : i32
      %add3A_123 = arith.constant 64 : i32
      %add3A_124 = arith.addi %mul3A_122, %add3A_123 : i32
      %swap3A_125 = arith.index_cast %add3A_124 : i32 to index
      %swap3A_126 = tpu.vector_load %arg7[%swap3A_125] {strides = array<i32>} : memref<10240xf32, #tpu.memory_space<vmem>>, vector<16xf32>,
      tpu.vector_store %arg7[%swap3A_125], %get3A_120 {strides = array<i32>} : memref<10240xf32, #tpu.memory_space<vmem>>, vector<16xf32>,
      %get3A_127 = arith.index_cast %scan3A_82 : i32 to index
      %get3A_128 = arith.constant 80 : index
      %get3A_129 = tpu.vector_load %arg6[%get3A_127, %get3A_128] {strides = array<i32>} : memref<80x128xf32, #tpu.memory_space<vmem>>, vector<16xf32>,
      %mul3A_130 = arith.constant 128 : i32
      %mul3A_131 = arith.muli %scan3A_82, %mul3A_130 : i32
      %add3A_132 = arith.constant 80 : i32
      %add3A_133 = arith.addi %mul3A_131, %add3A_132 : i32
      %swap3A_134 = arith.index_cast %add3A_133 : i32 to index
      %swap3A_135 = tpu.vector_load %arg7[%swap3A_134] {strides = array<i32>} : memref<10240xf32, #tpu.memory_space<vmem>>, vector<16xf32>,
      tpu.vector_store %arg7[%swap3A_134], %get3A_129 {strides = array<i32>} : memref<10240xf32, #tpu.memory_space<vmem>>, vector<16xf32>,
      %get3A_136 = arith.index_cast %scan3A_82 : i32 to index
      %get3A_137 = arith.constant 96 : index
      %get3A_138 = tpu.vector_load %arg6[%get3A_136, %get3A_137] {strides = array<i32>} : memref<80x128xf32, #tpu.memory_space<vmem>>, vector<16xf32>,
      %mul3A_139 = arith.constant 128 : i32
      %mul3A_140 = arith.muli %scan3A_82, %mul3A_139 : i32
      %add3A_141 = arith.constant 96 : i32
      %add3A_142 = arith.addi %mul3A_140, %add3A_141 : i32
      %swap3A_143 = arith.index_cast %add3A_142 : i32 to index
      %swap3A_144 = tpu.vector_load %arg7[%swap3A_143] {strides = array<i32>} : memref<10240xf32, #tpu.memory_space<vmem>>, vector<16xf32>,
      tpu.vector_store %arg7[%swap3A_143], %get3A_138 {strides = array<i32>} : memref<10240xf32, #tpu.memory_space<vmem>>, vector<16xf32>,
      %get3A_145 = arith.index_cast %scan3A_82 : i32 to index
      %get3A_146 = arith.constant 112 : index
      %get3A_147 = tpu.vector_load %arg6[%get3A_145, %get3A_146] {strides = array<i32>} : memref<80x128xf32, #tpu.memory_space<vmem>>, vector<16xf32>,
      %mul3A_148 = arith.constant 128 : i32
      %mul3A_149 = arith.muli %scan3A_82, %mul3A_148 : i32
      %add3A_150 = arith.constant 112 : i32
      %add3A_151 = arith.addi %mul3A_149, %add3A_150 : i32
      %swap3A_152 = arith.index_cast %add3A_151 : i32 to index
      %swap3A_153 = tpu.vector_load %arg7[%swap3A_152] {strides = array<i32>} : memref<10240xf32, #tpu.memory_space<vmem>>, vector<16xf32>,
      tpu.vector_store %arg7[%swap3A_152], %get3A_147 {strides = array<i32>} : memref<10240xf32, #tpu.memory_space<vmem>>, vector<16xf32>,
    }
    %scan3A_52 = arith.constant 80 : i32
    "tpu.region"() ({
      %run_scoped3A = tpu.sem_alloc : memref<!tpu.dma_semaphore, #tpu.memory_space<semaphore_mem>>
      tpu.enqueue_dma source(%arg3 : memref<10000xi32, #tpu.memory_space<hbm>>) target(%arg9 : memref<10000xi32, #tpu.memory_space<vmem>>) target_semaphore(%run_scoped3A : memref<!tpu.dma_semaphore, #tpu.memory_space<semaphore_mem>>)
      tpu.wait_dma2 semaphore(%run_scoped3A : memref<!tpu.dma_semaphore, #tpu.memory_space<semaphore_mem>>) src(%arg3 : memref<10000xi32, #tpu.memory_space<hbm>>) dst(%arg9 : memref<10000xi32, #tpu.memory_space<vmem>>)
      tpu.yield
    }) : () -> ()
    %swap3A_53 = arith.constant 0 : index
    %swap3A_54 = tpu.vector_load %arg10[%swap3A_53] {strides = array<i32>} : memref<32xf32, #tpu.memory_space<vmem>>, vector<16xf32>,
    tpu.vector_store %arg10[%swap3A_53], %broadcast_in_dim3A_0 {strides = array<i32>} : memref<32xf32, #tpu.memory_space<vmem>>, vector<16xf32>,
    %swap3A_55 = arith.constant 16 : index
    %swap3A_56 = tpu.vector_load %arg10[%swap3A_55] {strides = array<i32>} : memref<32xf32, #tpu.memory_space<vmem>>, vector<16xf32>,
    tpu.vector_store %arg10[%swap3A_55], %broadcast_in_dim3A_0 {strides = array<i32>} : memref<32xf32, #tpu.memory_space<vmem>>, vector<16xf32>,
    %scan3A_57 = arith.constant 0 : i32
    %scan3A_58 = arith.constant 0 : i32
    %scan3A_59 = arith.constant 125 : i32
    %scan3A_60 = arith.addi %scan3A_58, %scan3A_59 : i32
    %scan3A_61 = arith.constant 1 : i32
    scf.for %scan3A_82 = %scan3A_58 to %scan3A_60 step %scan3A_61  : i32 {
      %mul3A_83 = arith.constant 80 : i32
      %mul3A_84 = arith.muli %scan3A_82, %mul3A_83 : i32
      %add3A_85 = arith.constant 0 : i32
      %add3A_86 = arith.addi %mul3A_84, %add3A_85 : i32
      %get3A = arith.index_cast %add3A_86 : i32 to index
      %get3A_87 = tpu.vector_load %arg9[%get3A] {strides = array<i32>} : memref<10000xi32, #tpu.memory_space<vmem>>, vector<16xi32>,
      tpu.vector_store_idx %arg10[%get3A_87], %broadcast_in_dim3A_2 {add = true} : memref<32xf32, #tpu.memory_space<vmem>>[vector<16xi32>], vector<16xf32>,
      %add3A_88 = arith.constant 16 : i32
      %add3A_89 = arith.addi %mul3A_84, %add3A_88 : i32
      %get3A_90 = arith.index_cast %add3A_89 : i32 to index
      %get3A_91 = tpu.vector_load %arg9[%get3A_90] {strides = array<i32>} : memref<10000xi32, #tpu.memory_space<vmem>>, vector<16xi32>,
      tpu.vector_store_idx %arg10[%get3A_91], %broadcast_in_dim3A_2 {add = true} : memref<32xf32, #tpu.memory_space<vmem>>[vector<16xi32>], vector<16xf32>,
      %add3A_92 = arith.constant 32 : i32
      %add3A_93 = arith.addi %mul3A_84, %add3A_92 : i32
      %get3A_94 = arith.index_cast %add3A_93 : i32 to index
      %get3A_95 = tpu.vector_load %arg9[%get3A_94] {strides = array<i32>} : memref<10000xi32, #tpu.memory_space<vmem>>, vector<16xi32>,
      tpu.vector_store_idx %arg10[%get3A_95], %broadcast_in_dim3A_2 {add = true} : memref<32xf32, #tpu.memory_space<vmem>>[vector<16xi32>], vector<16xf32>,
      %add3A_96 = arith.constant 48 : i32
      %add3A_97 = arith.addi %mul3A_84, %add3A_96 : i32
      %get3A_98 = arith.index_cast %add3A_97 : i32 to index
      %get3A_99 = tpu.vector_load %arg9[%get3A_98] {strides = array<i32>} : memref<10000xi32, #tpu.memory_space<vmem>>, vector<16xi32>,
      tpu.vector_store_idx %arg10[%get3A_99], %broadcast_in_dim3A_2 {add = true} : memref<32xf32, #tpu.memory_space<vmem>>[vector<16xi32>], vector<16xf32>,
      %add3A_100 = arith.constant 64 : i32
      %add3A_101 = arith.addi %mul3A_84, %add3A_100 : i32
      %get3A_102 = arith.index_cast %add3A_101 : i32 to index
      %get3A_103 = tpu.vector_load %arg9[%get3A_102] {strides = array<i32>} : memref<10000xi32, #tpu.memory_space<vmem>>, vector<16xi32>,
      tpu.vector_store_idx %arg10[%get3A_103], %broadcast_in_dim3A_2 {add = true} : memref<32xf32, #tpu.memory_space<vmem>>[vector<16xi32>], vector<16xf32>,
    }
    %scan3A_62 = arith.constant 125 : i32
    %scan3A_63 = arith.constant 0 : i32
    %scan3A_64 = arith.constant 0 : i32
    %scan3A_65 = arith.constant 125 : i32
    %scan3A_66 = arith.addi %scan3A_64, %scan3A_65 : i32
    %scan3A_67 = arith.constant 1 : i32
    scf.for %scan3A_82 = %scan3A_64 to %scan3A_66 step %scan3A_67  : i32 {
      %mul3A_83 = arith.constant 80 : i32
      %mul3A_84 = arith.muli %scan3A_82, %mul3A_83 : i32
      %add3A_85 = arith.constant 0 : i32
      %add3A_86 = arith.addi %mul3A_84, %add3A_85 : i32
      %get3A = arith.index_cast %add3A_86 : i32 to index
      %get3A_87 = tpu.vector_load %arg7[%get3A] {strides = array<i32>} : memref<10240xf32, #tpu.memory_space<vmem>>, vector<16xf32>,
      %max3A = arith.constant 1.000000e+00 : f32
      %max3A_88 = vector.broadcast %max3A : f32 to vector<16xf32>
      %max3A_89 = arith.maximumf %get3A_87, %max3A_88 : vector<16xf32>
      %get3A_90 = arith.index_cast %add3A_86 : i32 to index
      %get3A_91 = tpu.vector_load %arg9[%get3A_90] {strides = array<i32>} : memref<10000xi32, #tpu.memory_space<vmem>>, vector<16xi32>,
      %gather3A = tpu.vector_load_idx %arg10[%get3A_91] : memref<32xf32, #tpu.memory_space<vmem>>[vector<16xi32>], vector<16xf32>,
      %mul3A_92 = arith.mulf %max3A_89, %gather3A : vector<16xf32>
      %div3A = arith.constant 1.000000e+00 : f32
      %div3A_93 = vector.broadcast %div3A : f32 to vector<16xf32>
      %div3A_94 = arith.divf %div3A_93, %mul3A_92 : vector<16xf32>
      %bitcast3A = vector.bitcast %div3A_94 : vector<16xf32> to vector<16xi32>
      %and3A = arith.constant -32 : i32
      %and3A_95 = vector.broadcast %and3A : i32 to vector<16xi32>
      %and3A_96 = arith.andi %bitcast3A, %and3A_95 : vector<16xi32>
      %or3A = arith.ori %and3A_96, %get3A_91 : vector<16xi32>
      %bitcast3A_97 = vector.bitcast %or3A : vector<16xi32> to vector<16xf32>
      %swap3A_98 = arith.index_cast %add3A_86 : i32 to index
      %swap3A_99 = tpu.vector_load %arg8[%swap3A_98] {strides = array<i32>} : memref<10240xf32, #tpu.memory_space<vmem>>, vector<16xf32>,
      tpu.vector_store %arg8[%swap3A_98], %bitcast3A_97 {strides = array<i32>} : memref<10240xf32, #tpu.memory_space<vmem>>, vector<16xf32>,
      %add3A_100 = arith.constant 16 : i32
      %add3A_101 = arith.addi %mul3A_84, %add3A_100 : i32
      %get3A_102 = arith.index_cast %add3A_101 : i32 to index
      %get3A_103 = tpu.vector_load %arg7[%get3A_102] {strides = array<i32>} : memref<10240xf32, #tpu.memory_space<vmem>>, vector<16xf32>,
      %max3A_104 = arith.constant 1.000000e+00 : f32
      %max3A_105 = vector.broadcast %max3A_104 : f32 to vector<16xf32>
      %max3A_106 = arith.maximumf %get3A_103, %max3A_105 : vector<16xf32>
      %get3A_107 = arith.index_cast %add3A_101 : i32 to index
      %get3A_108 = tpu.vector_load %arg9[%get3A_107] {strides = array<i32>} : memref<10000xi32, #tpu.memory_space<vmem>>, vector<16xi32>,
      %gather3A_109 = tpu.vector_load_idx %arg10[%get3A_108] : memref<32xf32, #tpu.memory_space<vmem>>[vector<16xi32>], vector<16xf32>,
      %mul3A_110 = arith.mulf %max3A_106, %gather3A_109 : vector<16xf32>
      %div3A_111 = arith.constant 1.000000e+00 : f32
      %div3A_112 = vector.broadcast %div3A_111 : f32 to vector<16xf32>
      %div3A_113 = arith.divf %div3A_112, %mul3A_110 : vector<16xf32>
      %bitcast3A_114 = vector.bitcast %div3A_113 : vector<16xf32> to vector<16xi32>
      %and3A_115 = arith.constant -32 : i32
      %and3A_116 = vector.broadcast %and3A_115 : i32 to vector<16xi32>
      %and3A_117 = arith.andi %bitcast3A_114, %and3A_116 : vector<16xi32>
      %or3A_118 = arith.ori %and3A_117, %get3A_108 : vector<16xi32>
      %bitcast3A_119 = vector.bitcast %or3A_118 : vector<16xi32> to vector<16xf32>
      %swap3A_120 = arith.index_cast %add3A_101 : i32 to index
      %swap3A_121 = tpu.vector_load %arg8[%swap3A_120] {strides = array<i32>} : memref<10240xf32, #tpu.memory_space<vmem>>, vector<16xf32>,
      tpu.vector_store %arg8[%swap3A_120], %bitcast3A_119 {strides = array<i32>} : memref<10240xf32, #tpu.memory_space<vmem>>, vector<16xf32>,
      %add3A_122 = arith.constant 32 : i32
      %add3A_123 = arith.addi %mul3A_84, %add3A_122 : i32
      %get3A_124 = arith.index_cast %add3A_123 : i32 to index
      %get3A_125 = tpu.vector_load %arg7[%get3A_124] {strides = array<i32>} : memref<10240xf32, #tpu.memory_space<vmem>>, vector<16xf32>,
      %max3A_126 = arith.constant 1.000000e+00 : f32
      %max3A_127 = vector.broadcast %max3A_126 : f32 to vector<16xf32>
      %max3A_128 = arith.maximumf %get3A_125, %max3A_127 : vector<16xf32>
      %get3A_129 = arith.index_cast %add3A_123 : i32 to index
      %get3A_130 = tpu.vector_load %arg9[%get3A_129] {strides = array<i32>} : memref<10000xi32, #tpu.memory_space<vmem>>, vector<16xi32>,
      %gather3A_131 = tpu.vector_load_idx %arg10[%get3A_130] : memref<32xf32, #tpu.memory_space<vmem>>[vector<16xi32>], vector<16xf32>,
      %mul3A_132 = arith.mulf %max3A_128, %gather3A_131 : vector<16xf32>
      %div3A_133 = arith.constant 1.000000e+00 : f32
      %div3A_134 = vector.broadcast %div3A_133 : f32 to vector<16xf32>
      %div3A_135 = arith.divf %div3A_134, %mul3A_132 : vector<16xf32>
      %bitcast3A_136 = vector.bitcast %div3A_135 : vector<16xf32> to vector<16xi32>
      %and3A_137 = arith.constant -32 : i32
      %and3A_138 = vector.broadcast %and3A_137 : i32 to vector<16xi32>
      %and3A_139 = arith.andi %bitcast3A_136, %and3A_138 : vector<16xi32>
      %or3A_140 = arith.ori %and3A_139, %get3A_130 : vector<16xi32>
      %bitcast3A_141 = vector.bitcast %or3A_140 : vector<16xi32> to vector<16xf32>
      %swap3A_142 = arith.index_cast %add3A_123 : i32 to index
      %swap3A_143 = tpu.vector_load %arg8[%swap3A_142] {strides = array<i32>} : memref<10240xf32, #tpu.memory_space<vmem>>, vector<16xf32>,
      tpu.vector_store %arg8[%swap3A_142], %bitcast3A_141 {strides = array<i32>} : memref<10240xf32, #tpu.memory_space<vmem>>, vector<16xf32>,
      %add3A_144 = arith.constant 48 : i32
      %add3A_145 = arith.addi %mul3A_84, %add3A_144 : i32
      %get3A_146 = arith.index_cast %add3A_145 : i32 to index
      %get3A_147 = tpu.vector_load %arg7[%get3A_146] {strides = array<i32>} : memref<10240xf32, #tpu.memory_space<vmem>>, vector<16xf32>,
      %max3A_148 = arith.constant 1.000000e+00 : f32
      %max3A_149 = vector.broadcast %max3A_148 : f32 to vector<16xf32>
      %max3A_150 = arith.maximumf %get3A_147, %max3A_149 : vector<16xf32>
      %get3A_151 = arith.index_cast %add3A_145 : i32 to index
      %get3A_152 = tpu.vector_load %arg9[%get3A_151] {strides = array<i32>} : memref<10000xi32, #tpu.memory_space<vmem>>, vector<16xi32>,
      %gather3A_153 = tpu.vector_load_idx %arg10[%get3A_152] : memref<32xf32, #tpu.memory_space<vmem>>[vector<16xi32>], vector<16xf32>,
      %mul3A_154 = arith.mulf %max3A_150, %gather3A_153 : vector<16xf32>
      %div3A_155 = arith.constant 1.000000e+00 : f32
      %div3A_156 = vector.broadcast %div3A_155 : f32 to vector<16xf32>
      %div3A_157 = arith.divf %div3A_156, %mul3A_154 : vector<16xf32>
      %bitcast3A_158 = vector.bitcast %div3A_157 : vector<16xf32> to vector<16xi32>
      %and3A_159 = arith.constant -32 : i32
      %and3A_160 = vector.broadcast %and3A_159 : i32 to vector<16xi32>
      %and3A_161 = arith.andi %bitcast3A_158, %and3A_160 : vector<16xi32>
      %or3A_162 = arith.ori %and3A_161, %get3A_152 : vector<16xi32>
      %bitcast3A_163 = vector.bitcast %or3A_162 : vector<16xi32> to vector<16xf32>
      %swap3A_164 = arith.index_cast %add3A_145 : i32 to index
      %swap3A_165 = tpu.vector_load %arg8[%swap3A_164] {strides = array<i32>} : memref<10240xf32, #tpu.memory_space<vmem>>, vector<16xf32>,
      tpu.vector_store %arg8[%swap3A_164], %bitcast3A_163 {strides = array<i32>} : memref<10240xf32, #tpu.memory_space<vmem>>, vector<16xf32>,
      %add3A_166 = arith.constant 64 : i32
      %add3A_167 = arith.addi %mul3A_84, %add3A_166 : i32
      %get3A_168 = arith.index_cast %add3A_167 : i32 to index
      %get3A_169 = tpu.vector_load %arg7[%get3A_168] {strides = array<i32>} : memref<10240xf32, #tpu.memory_space<vmem>>, vector<16xf32>,
      %max3A_170 = arith.constant 1.000000e+00 : f32
      %max3A_171 = vector.broadcast %max3A_170 : f32 to vector<16xf32>
      %max3A_172 = arith.maximumf %get3A_169, %max3A_171 : vector<16xf32>
      %get3A_173 = arith.index_cast %add3A_167 : i32 to index
      %get3A_174 = tpu.vector_load %arg9[%get3A_173] {strides = array<i32>} : memref<10000xi32, #tpu.memory_space<vmem>>, vector<16xi32>,
      %gather3A_175 = tpu.vector_load_idx %arg10[%get3A_174] : memref<32xf32, #tpu.memory_space<vmem>>[vector<16xi32>], vector<16xf32>,
      %mul3A_176 = arith.mulf %max3A_172, %gather3A_175 : vector<16xf32>
      %div3A_177 = arith.constant 1.000000e+00 : f32
      %div3A_178 = vector.broadcast %div3A_177 : f32 to vector<16xf32>
      %div3A_179 = arith.divf %div3A_178, %mul3A_176 : vector<16xf32>
      %bitcast3A_180 = vector.bitcast %div3A_179 : vector<16xf32> to vector<16xi32>
      %and3A_181 = arith.constant -32 : i32
      %and3A_182 = vector.broadcast %and3A_181 : i32 to vector<16xi32>
      %and3A_183 = arith.andi %bitcast3A_180, %and3A_182 : vector<16xi32>
      %or3A_184 = arith.ori %and3A_183, %get3A_174 : vector<16xi32>
      %bitcast3A_185 = vector.bitcast %or3A_184 : vector<16xi32> to vector<16xf32>
      %swap3A_186 = arith.index_cast %add3A_167 : i32 to index
      %swap3A_187 = tpu.vector_load %arg8[%swap3A_186] {strides = array<i32>} : memref<10240xf32, #tpu.memory_space<vmem>>, vector<16xf32>,
      tpu.vector_store %arg8[%swap3A_186], %bitcast3A_185 {strides = array<i32>} : memref<10240xf32, #tpu.memory_space<vmem>>, vector<16xf32>,
    }
    %scan3A_68 = arith.constant 125 : i32
    %mul3A_69 = arith.constant 10000 : i32
    %mul3A_70 = arith.muli %arg0, %mul3A_69 : i32
    %scan3A_71 = arith.constant 0 : i32
    %scan3A_72 = arith.constant 0 : i32
    %scan3A_73 = arith.constant 125 : i32
    %scan3A_74 = arith.addi %scan3A_72, %scan3A_73 : i32
    %scan3A_75 = arith.constant 1 : i32
    scf.for %scan3A_82 = %scan3A_72 to %scan3A_74 step %scan3A_75  : i32 {
      %mul3A_83 = arith.constant 80 : i32
      %mul3A_84 = arith.muli %scan3A_82, %mul3A_83 : i32
      %add3A_85 = arith.addi %mul3A_70, %mul3A_84 : i32
      %mul3A_86 = arith.constant 80 : i32
      %mul3A_87 = arith.muli %scan3A_82, %mul3A_86 : i32
      %add3A_88 = arith.constant 0 : i32
      %add3A_89 = arith.addi %add3A_85, %add3A_88 : i32
      %get3A = arith.index_cast %add3A_89 : i32 to index
      %get3A_90 = tpu.vector_load %arg5[%get3A] {strides = array<i32>} : memref<20000xi32, #tpu.memory_space<vmem>>, vector<16xi32>,
      %gather3A = tpu.vector_load_idx %arg8[%get3A_90] : memref<10240xf32, #tpu.memory_space<vmem>>[vector<16xi32>], vector<16xf32>,
      %add3A_91 = arith.constant 0 : i32
      %add3A_92 = arith.addi %mul3A_87, %add3A_91 : i32
      %swap3A_93 = arith.index_cast %add3A_92 : i32 to index
      %swap3A_94 = tpu.vector_load %arg12[%swap3A_93] {strides = array<i32>} : memref<10000xf32, #tpu.memory_space<vmem>>, vector<16xf32>,
      tpu.vector_store %arg12[%swap3A_93], %gather3A {strides = array<i32>} : memref<10000xf32, #tpu.memory_space<vmem>>, vector<16xf32>,
      %add3A_95 = arith.constant 16 : i32
      %add3A_96 = arith.addi %add3A_85, %add3A_95 : i32
      %get3A_97 = arith.index_cast %add3A_96 : i32 to index
      %get3A_98 = tpu.vector_load %arg5[%get3A_97] {strides = array<i32>} : memref<20000xi32, #tpu.memory_space<vmem>>, vector<16xi32>,
      %gather3A_99 = tpu.vector_load_idx %arg8[%get3A_98] : memref<10240xf32, #tpu.memory_space<vmem>>[vector<16xi32>], vector<16xf32>,
      %add3A_100 = arith.constant 16 : i32
      %add3A_101 = arith.addi %mul3A_87, %add3A_100 : i32
      %swap3A_102 = arith.index_cast %add3A_101 : i32 to index
      %swap3A_103 = tpu.vector_load %arg12[%swap3A_102] {strides = array<i32>} : memref<10000xf32, #tpu.memory_space<vmem>>, vector<16xf32>,
      tpu.vector_store %arg12[%swap3A_102], %gather3A_99 {strides = array<i32>} : memref<10000xf32, #tpu.memory_space<vmem>>, vector<16xf32>,
      %add3A_104 = arith.constant 32 : i32
      %add3A_105 = arith.addi %add3A_85, %add3A_104 : i32
      %get3A_106 = arith.index_cast %add3A_105 : i32 to index
      %get3A_107 = tpu.vector_load %arg5[%get3A_106] {strides = array<i32>} : memref<20000xi32, #tpu.memory_space<vmem>>, vector<16xi32>,
      %gather3A_108 = tpu.vector_load_idx %arg8[%get3A_107] : memref<10240xf32, #tpu.memory_space<vmem>>[vector<16xi32>], vector<16xf32>,
      %add3A_109 = arith.constant 32 : i32
      %add3A_110 = arith.addi %mul3A_87, %add3A_109 : i32
      %swap3A_111 = arith.index_cast %add3A_110 : i32 to index
      %swap3A_112 = tpu.vector_load %arg12[%swap3A_111] {strides = array<i32>} : memref<10000xf32, #tpu.memory_space<vmem>>, vector<16xf32>,
      tpu.vector_store %arg12[%swap3A_111], %gather3A_108 {strides = array<i32>} : memref<10000xf32, #tpu.memory_space<vmem>>, vector<16xf32>,
      %add3A_113 = arith.constant 48 : i32
      %add3A_114 = arith.addi %add3A_85, %add3A_113 : i32
      %get3A_115 = arith.index_cast %add3A_114 : i32 to index
      %get3A_116 = tpu.vector_load %arg5[%get3A_115] {strides = array<i32>} : memref<20000xi32, #tpu.memory_space<vmem>>, vector<16xi32>,
      %gather3A_117 = tpu.vector_load_idx %arg8[%get3A_116] : memref<10240xf32, #tpu.memory_space<vmem>>[vector<16xi32>], vector<16xf32>,
      %add3A_118 = arith.constant 48 : i32
      %add3A_119 = arith.addi %mul3A_87, %add3A_118 : i32
      %swap3A_120 = arith.index_cast %add3A_119 : i32 to index
      %swap3A_121 = tpu.vector_load %arg12[%swap3A_120] {strides = array<i32>} : memref<10000xf32, #tpu.memory_space<vmem>>, vector<16xf32>,
      tpu.vector_store %arg12[%swap3A_120], %gather3A_117 {strides = array<i32>} : memref<10000xf32, #tpu.memory_space<vmem>>, vector<16xf32>,
      %add3A_122 = arith.constant 64 : i32
      %add3A_123 = arith.addi %add3A_85, %add3A_122 : i32
      %get3A_124 = arith.index_cast %add3A_123 : i32 to index
      %get3A_125 = tpu.vector_load %arg5[%get3A_124] {strides = array<i32>} : memref<20000xi32, #tpu.memory_space<vmem>>, vector<16xi32>,
      %gather3A_126 = tpu.vector_load_idx %arg8[%get3A_125] : memref<10240xf32, #tpu.memory_space<vmem>>[vector<16xi32>], vector<16xf32>,
      %add3A_127 = arith.constant 64 : i32
      %add3A_128 = arith.addi %mul3A_87, %add3A_127 : i32
      %swap3A_129 = arith.index_cast %add3A_128 : i32 to index
      %swap3A_130 = tpu.vector_load %arg12[%swap3A_129] {strides = array<i32>} : memref<10000xf32, #tpu.memory_space<vmem>>, vector<16xf32>,
      tpu.vector_store %arg12[%swap3A_129], %gather3A_126 {strides = array<i32>} : memref<10000xf32, #tpu.memory_space<vmem>>, vector<16xf32>,
    }
    %scan3A_76 = arith.constant 125 : i32
    %mul3A_77 = arith.constant 20000 : i32
    %mul3A_78 = arith.muli %arg1, %mul3A_77 : i32
    %mul3A_79 = arith.constant 10000 : i32
    %mul3A_80 = arith.muli %arg0, %mul3A_79 : i32
    %add3A_81 = arith.addi %mul3A_78, %mul3A_80 : i32
    "tpu.region"() ({
      %run_scoped3A = tpu.sem_alloc : memref<!tpu.dma_semaphore, #tpu.memory_space<semaphore_mem>>
      %dma_start3A = tpu.memref_slice %arg4[%add3A_81] : memref<320000xf32, #tpu.memory_space<hbm>> -> memref<10000xf32, #tpu.memory_space<hbm>>
      %dma_start3A_82 = tpu.memref_slice %arg4[%add3A_81] : memref<320000xf32, #tpu.memory_space<hbm>> -> memref<10000xf32, #tpu.memory_space<hbm>>
      tpu.enqueue_dma source(%arg12 : memref<10000xf32, #tpu.memory_space<vmem>>) target(%dma_start3A_82 : memref<10000xf32, #tpu.memory_space<hbm>>) target_semaphore(%run_scoped3A : memref<!tpu.dma_semaphore, #tpu.memory_space<semaphore_mem>>)
      %dma_wait3A = tpu.memref_slice %arg4[%add3A_81] : memref<320000xf32, #tpu.memory_space<hbm>> -> memref<10000xf32, #tpu.memory_space<hbm>>
      %dma_wait3A_83 = tpu.memref_slice %arg4[%add3A_81] : memref<320000xf32, #tpu.memory_space<hbm>> -> memref<10000xf32, #tpu.memory_space<hbm>>
      tpu.wait_dma2 semaphore(%run_scoped3A : memref<!tpu.dma_semaphore, #tpu.memory_space<semaphore_mem>>) src(%arg12 : memref<10000xf32, #tpu.memory_space<vmem>>) dst(%dma_wait3A_83 : memref<10000xf32, #tpu.memory_space<hbm>>)
      tpu.yield
    }) : () -> ()
    return
  }
}

module attributes {stable_mosaic.version = 14 : i64} {
  func.func @_tc_body(%arg0: i32, %arg1: memref<1x1x12800xf32, #tpu.memory_space<vmem>>, %arg2: memref<12800x128xf32, #tpu.memory_space<vmem>>, %arg3: memref<3x12800xf32, #tpu.memory_space<vmem>>, %arg4: memref<128x128xf32, #tpu.memory_space<vmem>>, %arg5: memref<1x128xf32, #tpu.memory_space<vmem>>, %arg6: memref<128x128xf32, #tpu.memory_space<vmem>>, %arg7: memref<1x128xf32, #tpu.memory_space<vmem>>, %arg8: memref<8x256xf32, #tpu.memory_space<vmem>>, %arg9: memref<1x2xf32, #tpu.memory_space<vmem>>, %arg10: memref<8x9xf32, #tpu.memory_space<vmem>>, %arg11: memref<32x9xf32, #tpu.memory_space<vmem>>, %arg12: memref<32x8xf32, #tpu.memory_space<vmem>>, %arg13: memref<128x256xf32, #tpu.memory_space<vmem>>, %arg14: memref<256x8xf32, #tpu.memory_space<vmem>>, %arg15: memref<1x256xf32, #tpu.memory_space<vmem>>) attributes {dimension_semantics = [#tpu.dimension_semantics<arbitrary>], iteration_bounds = array<i64: 25>, scalar_prefetch = 0 : i64, scratch_operands = 4 : i64, tpu.core_type = #tpu.core_type<tc>, window_params = [{transform_indices = @transform_0, window_bounds = array<i64: 1, 1, 12800>}, {transform_indices = @transform_1, window_bounds = array<i64: 12800, 128>}, {transform_indices = @transform_2, window_bounds = array<i64: 3, 12800>}, {pipeline_mode = #tpu.pipeline_mode<synchronous>, transform_indices = @transform_3, window_bounds = array<i64: 128, 128>}, {pipeline_mode = #tpu.pipeline_mode<synchronous>, transform_indices = @transform_4, window_bounds = array<i64: 1, 128>}, {pipeline_mode = #tpu.pipeline_mode<synchronous>, transform_indices = @transform_5, window_bounds = array<i64: 128, 128>}, {pipeline_mode = #tpu.pipeline_mode<synchronous>, transform_indices = @transform_6, window_bounds = array<i64: 1, 128>}, {pipeline_mode = #tpu.pipeline_mode<synchronous>, transform_indices = @transform_7, window_bounds = array<i64: 8, 256>}, {pipeline_mode = #tpu.pipeline_mode<synchronous>, transform_indices = @transform_8, window_bounds = array<i64: 1, 2>}, {pipeline_mode = #tpu.pipeline_mode<synchronous>, transform_indices = @transform_9, window_bounds = array<i64: 8, 9>}, {pipeline_mode = #tpu.pipeline_mode<synchronous>, transform_indices = @transform_10, window_bounds = array<i64: 32, 9>}]} {
    %eq3A = arith.constant 0 : i32
    %eq3A_0 = arith.cmpi eq, %arg0, %eq3A : i32
    %convert_element_type3A = arith.extui %eq3A_0 : i1 to i32
    %cond3A = arith.constant 0 : i32
    %cond3A_1 = arith.cmpi ne, %convert_element_type3A, %cond3A : i32
    scf.if %cond3A_1 {
      %broadcast_in_dim3A_161 = arith.constant 0.000000e+00 : f32
      %broadcast_in_dim3A_162 = vector.broadcast %broadcast_in_dim3A_161 : f32 to vector<32x8xf32>
      %swap3A_163 = arith.constant 0 : index
      %swap3A_164 = arith.constant 0 : index
      %swap3A_165 = vector.load %arg12[%swap3A_163, %swap3A_164] : memref<32x8xf32, #tpu.memory_space<vmem>>, vector<32x8xf32>
      tpu.vector_store %arg12[%swap3A_163, %swap3A_164], %broadcast_in_dim3A_162 {strides = array<i32>} : memref<32x8xf32, #tpu.memory_space<vmem>>, vector<32x8xf32>,
      %get3A_166 = arith.constant 0 : index
      %get3A_167 = arith.constant 0 : index
      %get3A_168 = vector.load %arg4[%get3A_166, %get3A_167] : memref<128x128xf32, #tpu.memory_space<vmem>>, vector<128x128xf32>
      %transpose3A_169 = tpu.transpose %get3A_168, [1, 0] : vector<128x128xf32> -> vector<128x128xf32>
      %swap3A_170 = arith.constant 0 : index
      %swap3A_171 = arith.constant 0 : index
      %swap3A_172 = vector.load %arg13[%swap3A_170, %swap3A_171] : memref<128x256xf32, #tpu.memory_space<vmem>>, vector<128x128xf32>
      tpu.vector_store %arg13[%swap3A_170, %swap3A_171], %transpose3A_169 {strides = array<i32>} : memref<128x256xf32, #tpu.memory_space<vmem>>, vector<128x128xf32>,
      %get3A_173 = arith.constant 0 : index
      %get3A_174 = arith.constant 0 : index
      %get3A_175 = vector.load %arg6[%get3A_173, %get3A_174] : memref<128x128xf32, #tpu.memory_space<vmem>>, vector<128x128xf32>
      %transpose3A_176 = tpu.transpose %get3A_175, [1, 0] : vector<128x128xf32> -> vector<128x128xf32>
      %swap3A_177 = arith.constant 0 : index
      %swap3A_178 = arith.constant 128 : index
      %swap3A_179 = vector.load %arg13[%swap3A_177, %swap3A_178] : memref<128x256xf32, #tpu.memory_space<vmem>>, vector<128x128xf32>
      tpu.vector_store %arg13[%swap3A_177, %swap3A_178], %transpose3A_176 {strides = array<i32>} : memref<128x256xf32, #tpu.memory_space<vmem>>, vector<128x128xf32>,
      %get3A_180 = arith.constant 0 : index
      %get3A_181 = arith.constant 0 : index
      %get3A_182 = vector.load %arg5[%get3A_180, %get3A_181] : memref<1x128xf32, #tpu.memory_space<vmem>>, vector<1x128xf32>
      %swap3A_183 = arith.constant 0 : index
      %swap3A_184 = arith.constant 0 : index
      %swap3A_185 = vector.load %arg15[%swap3A_183, %swap3A_184] : memref<1x256xf32, #tpu.memory_space<vmem>>, vector<1x128xf32>
      tpu.vector_store %arg15[%swap3A_183, %swap3A_184], %get3A_182 {strides = array<i32>} : memref<1x256xf32, #tpu.memory_space<vmem>>, vector<1x128xf32>,
      %get3A_186 = arith.constant 0 : index
      %get3A_187 = arith.constant 0 : index
      %get3A_188 = vector.load %arg7[%get3A_186, %get3A_187] : memref<1x128xf32, #tpu.memory_space<vmem>>, vector<1x128xf32>
      %swap3A_189 = arith.constant 0 : index
      %swap3A_190 = arith.constant 128 : index
      %swap3A_191 = vector.load %arg15[%swap3A_189, %swap3A_190] : memref<1x256xf32, #tpu.memory_space<vmem>>, vector<1x128xf32>
      tpu.vector_store %arg15[%swap3A_189, %swap3A_190], %get3A_188 {strides = array<i32>} : memref<1x256xf32, #tpu.memory_space<vmem>>, vector<1x128xf32>,
      %get3A_192 = arith.constant 0 : index
      %get3A_193 = arith.constant 0 : index
      %get3A_194 = vector.load %arg8[%get3A_192, %get3A_193] : memref<8x256xf32, #tpu.memory_space<vmem>>, vector<8x256xf32>
      %transpose3A_195 = tpu.transpose %get3A_194, [1, 0] : vector<8x256xf32> -> vector<256x8xf32>
      %swap3A_196 = arith.constant 0 : index
      %swap3A_197 = arith.constant 0 : index
      %swap3A_198 = vector.load %arg14[%swap3A_196, %swap3A_197] : memref<256x8xf32, #tpu.memory_space<vmem>>, vector<256x8xf32>
      tpu.vector_store %arg14[%swap3A_196, %swap3A_197], %transpose3A_195 {strides = array<i32>} : memref<256x8xf32, #tpu.memory_space<vmem>>, vector<256x8xf32>,
    } else {
    }
    %get3A = arith.constant 0 : index
    %get3A_2 = arith.constant 0 : index
    %get3A_3 = vector.load %arg2[%get3A, %get3A_2] : memref<12800x128xf32, #tpu.memory_space<vmem>>, vector<12800x128xf32>
    %slice3A = vector.extract_strided_slice %get3A_3 {offsets = [0, 0], sizes = [6400, 128], strides = [1, 1]} : vector<12800x128xf32> to vector<6400x128xf32>
    %get3A_4 = arith.constant 0 : index
    %get3A_5 = arith.constant 0 : index
    %get3A_6 = vector.load %arg13[%get3A_4, %get3A_5] : memref<128x256xf32, #tpu.memory_space<vmem>>, vector<128x256xf32>
    %dot_general3A = arith.constant dense<0.000000e+00> : vector<6400x256xf32>
    %dot_general3A_7 = tpu.matmul %slice3A, %get3A_6, %dot_general3A {dimension_numbers = #tpu.dot_dimension_numbers<[1], [0], [0], [1], [0, 0, 1, 1], [], []>, transpose_lhs_hint = false} : vector<6400x128xf32>, vector<128x256xf32>, vector<6400x256xf32> -> vector<6400x256xf32>
    %get3A_8 = arith.constant 0 : index
    %get3A_9 = arith.constant 0 : index
    %get3A_10 = vector.load %arg15[%get3A_8, %get3A_9] : memref<1x256xf32, #tpu.memory_space<vmem>>, vector<1x256xf32>
    %add3A = vector.broadcast %get3A_10 : vector<1x256xf32> to vector<6400x256xf32>
    %add3A_11 = arith.addf %dot_general3A_7, %add3A : vector<6400x256xf32>
    %mul3A = arith.constant 5.000000e-01 : f32
    %mul3A_12 = vector.broadcast %mul3A : f32 to vector<6400x256xf32>
    %mul3A_13 = arith.mulf %mul3A_12, %add3A_11 : vector<6400x256xf32>
    %mul3A_14 = arith.constant 5.000000e-01 : f32
    %mul3A_15 = vector.broadcast %mul3A_14 : f32 to vector<6400x256xf32>
    %mul3A_16 = arith.mulf %mul3A_15, %add3A_11 : vector<6400x256xf32>
    %mul3A_17 = arith.constant 5.000000e-01 : f32
    %mul3A_18 = vector.broadcast %mul3A_17 : f32 to vector<6400x256xf32>
    %mul3A_19 = arith.mulf %mul3A_18, %add3A_11 : vector<6400x256xf32>
    %tanh3A = math.tanh %mul3A_19 : vector<6400x256xf32>
    %mul3A_20 = arith.mulf %mul3A_16, %tanh3A : vector<6400x256xf32>
    %add3A_21 = arith.addf %mul3A_13, %mul3A_20 : vector<6400x256xf32>
    %get3A_22 = arith.constant 0 : index
    %get3A_23 = arith.constant 0 : index
    %get3A_24 = vector.load %arg14[%get3A_22, %get3A_23] : memref<256x8xf32, #tpu.memory_space<vmem>>, vector<256x8xf32>
    %dot_general3A_25 = arith.constant dense<0.000000e+00> : vector<6400x8xf32>
    %dot_general3A_26 = tpu.matmul %add3A_21, %get3A_24, %dot_general3A_25 {dimension_numbers = #tpu.dot_dimension_numbers<[1], [0], [0], [1], [0, 0, 1, 1], [], []>, transpose_lhs_hint = false} : vector<6400x256xf32>, vector<256x8xf32>, vector<6400x8xf32> -> vector<6400x8xf32>
    %transpose3A = tpu.transpose %dot_general3A_26, [1, 0] : vector<6400x8xf32> -> vector<8x6400xf32>
    %slice3A_27 = vector.extract_strided_slice %get3A_3 {offsets = [6400, 0], sizes = [6400, 128], strides = [1, 1]} : vector<12800x128xf32> to vector<6400x128xf32>
    %get3A_28 = arith.constant 0 : index
    %get3A_29 = arith.constant 0 : index
    %get3A_30 = vector.load %arg13[%get3A_28, %get3A_29] : memref<128x256xf32, #tpu.memory_space<vmem>>, vector<128x256xf32>
    %dot_general3A_31 = arith.constant dense<0.000000e+00> : vector<6400x256xf32>
    %dot_general3A_32 = tpu.matmul %slice3A_27, %get3A_30, %dot_general3A_31 {dimension_numbers = #tpu.dot_dimension_numbers<[1], [0], [0], [1], [0, 0, 1, 1], [], []>, transpose_lhs_hint = false} : vector<6400x128xf32>, vector<128x256xf32>, vector<6400x256xf32> -> vector<6400x256xf32>
    %get3A_33 = arith.constant 0 : index
    %get3A_34 = arith.constant 0 : index
    %get3A_35 = vector.load %arg15[%get3A_33, %get3A_34] : memref<1x256xf32, #tpu.memory_space<vmem>>, vector<1x256xf32>
    %add3A_36 = vector.broadcast %get3A_35 : vector<1x256xf32> to vector<6400x256xf32>
    %add3A_37 = arith.addf %dot_general3A_32, %add3A_36 : vector<6400x256xf32>
    %mul3A_38 = arith.constant 5.000000e-01 : f32
    %mul3A_39 = vector.broadcast %mul3A_38 : f32 to vector<6400x256xf32>
    %mul3A_40 = arith.mulf %mul3A_39, %add3A_37 : vector<6400x256xf32>
    %mul3A_41 = arith.constant 5.000000e-01 : f32
    %mul3A_42 = vector.broadcast %mul3A_41 : f32 to vector<6400x256xf32>
    %mul3A_43 = arith.mulf %mul3A_42, %add3A_37 : vector<6400x256xf32>
    %mul3A_44 = arith.constant 5.000000e-01 : f32
    %mul3A_45 = vector.broadcast %mul3A_44 : f32 to vector<6400x256xf32>
    %mul3A_46 = arith.mulf %mul3A_45, %add3A_37 : vector<6400x256xf32>
    %tanh3A_47 = math.tanh %mul3A_46 : vector<6400x256xf32>
    %mul3A_48 = arith.mulf %mul3A_43, %tanh3A_47 : vector<6400x256xf32>
    %add3A_49 = arith.addf %mul3A_40, %mul3A_48 : vector<6400x256xf32>
    %get3A_50 = arith.constant 0 : index
    %get3A_51 = arith.constant 0 : index
    %get3A_52 = vector.load %arg14[%get3A_50, %get3A_51] : memref<256x8xf32, #tpu.memory_space<vmem>>, vector<256x8xf32>
    %dot_general3A_53 = arith.constant dense<0.000000e+00> : vector<6400x8xf32>
    %dot_general3A_54 = tpu.matmul %add3A_49, %get3A_52, %dot_general3A_53 {dimension_numbers = #tpu.dot_dimension_numbers<[1], [0], [0], [1], [0, 0, 1, 1], [], []>, transpose_lhs_hint = false} : vector<6400x256xf32>, vector<256x8xf32>, vector<6400x8xf32> -> vector<6400x8xf32>
    %transpose3A_55 = tpu.transpose %dot_general3A_54, [1, 0] : vector<6400x8xf32> -> vector<8x6400xf32>
    %concatenate3A = tpu.concatenate %transpose3A, %transpose3A_55 in 1 : vector<8x6400xf32>, vector<8x6400xf32> -> vector<8x12800xf32>
    %slice3A_56 = vector.extract_strided_slice %concatenate3A {offsets = [0, 0], sizes = [1, 12800], strides = [1, 1]} : vector<8x12800xf32> to vector<1x12800xf32>
    %squeeze3A = vector.shape_cast %slice3A_56 : vector<1x12800xf32> to vector<12800xf32>
    %get3A_57 = arith.constant 0 : index
    %get3A_58 = arith.constant 0 : index
    %get3A_59 = vector.load %arg9[%get3A_57, %get3A_58] : memref<1x2xf32, #tpu.memory_space<vmem>>, vector<1x1xf32>
    %get3A_60 = vector.extract %get3A_59[0, 0] : f32 from vector<1x1xf32>
    %add3A_61 = vector.broadcast %get3A_60 : f32 to vector<12800xf32>
    %add3A_62 = arith.addf %squeeze3A, %add3A_61 : vector<12800xf32>
    %slice3A_63 = vector.extract_strided_slice %concatenate3A {offsets = [1, 0], sizes = [1, 12800], strides = [1, 1]} : vector<8x12800xf32> to vector<1x12800xf32>
    %squeeze3A_64 = vector.shape_cast %slice3A_63 : vector<1x12800xf32> to vector<12800xf32>
    %get3A_65 = arith.constant 0 : index
    %get3A_66 = arith.constant 1 : index
    %get3A_67 = vector.load %arg9[%get3A_65, %get3A_66] : memref<1x2xf32, #tpu.memory_space<vmem>>, vector<1x1xf32>
    %get3A_68 = vector.extract %get3A_67[0, 0] : f32 from vector<1x1xf32>
    %add3A_69 = vector.broadcast %get3A_68 : f32 to vector<12800xf32>
    %add3A_70 = arith.addf %squeeze3A_64, %add3A_69 : vector<12800xf32>
    %get3A_71 = arith.constant 0 : index
    %get3A_72 = arith.constant 0 : index
    %get3A_73 = vector.load %arg3[%get3A_71, %get3A_72] : memref<3x12800xf32, #tpu.memory_space<vmem>>, vector<1x12800xf32>
    %get3A_74 = vector.shape_cast %get3A_73 : vector<1x12800xf32> to vector<12800xf32>
    %get3A_75 = arith.constant 1 : index
    %get3A_76 = arith.constant 0 : index
    %get3A_77 = vector.load %arg3[%get3A_75, %get3A_76] : memref<3x12800xf32, #tpu.memory_space<vmem>>, vector<1x12800xf32>
    %get3A_78 = vector.shape_cast %get3A_77 : vector<1x12800xf32> to vector<12800xf32>
    %get3A_79 = arith.constant 2 : index
    %get3A_80 = arith.constant 0 : index
    %get3A_81 = vector.load %arg3[%get3A_79, %get3A_80] : memref<3x12800xf32, #tpu.memory_space<vmem>>, vector<1x12800xf32>
    %get3A_82 = vector.shape_cast %get3A_81 : vector<1x12800xf32> to vector<12800xf32>
    %mul3A_83 = arith.mulf %get3A_74, %get3A_74 : vector<12800xf32>
    %mul3A_84 = arith.mulf %get3A_78, %get3A_78 : vector<12800xf32>
    %add3A_85 = arith.addf %mul3A_83, %mul3A_84 : vector<12800xf32>
    %mul3A_86 = arith.mulf %get3A_82, %get3A_82 : vector<12800xf32>
    %add3A_87 = arith.addf %add3A_85, %mul3A_86 : vector<12800xf32>
    %div3A = arith.constant 1.000000e+00 : f32
    %div3A_88 = vector.broadcast %div3A : f32 to vector<12800xf32>
    %div3A_89 = arith.divf %div3A_88, %add3A_87 : vector<12800xf32>
    %get3A_90 = arith.constant 0 : index
    %get3A_91 = arith.constant 0 : index
    %get3A_92 = arith.constant 0 : index
    %get3A_93 = vector.load %arg1[%get3A_90, %get3A_91, %get3A_92] : memref<1x1x12800xf32, #tpu.memory_space<vmem>>, vector<1x1x12800xf32>
    %get3A_94 = vector.shape_cast %get3A_93 : vector<1x1x12800xf32> to vector<12800xf32>
    %mul3A_95 = arith.mulf %get3A_94, %add3A_62 : vector<12800xf32>
    %mul3A_96 = arith.mulf %get3A_94, %add3A_70 : vector<12800xf32>
    %mul3A_97 = arith.constant 0.63078314 : f32
    %mul3A_98 = vector.broadcast %mul3A_97 : f32 to vector<12800xf32>
    %mul3A_99 = arith.mulf %mul3A_96, %mul3A_98 : vector<12800xf32>
    %mul3A_100 = arith.mulf %mul3A_99, %div3A_89 : vector<12800xf32>
    %mul3A_101 = arith.constant 1.73205078 : f32
    %mul3A_102 = vector.broadcast %mul3A_101 : f32 to vector<12800xf32>
    %mul3A_103 = arith.mulf %mul3A_102, %get3A_74 : vector<12800xf32>
    %mul3A_104 = arith.mulf %mul3A_103, %get3A_82 : vector<12800xf32>
    %mul3A_105 = arith.mulf %mul3A_100, %mul3A_104 : vector<12800xf32>
    %mul3A_106 = arith.constant 1.73205078 : f32
    %mul3A_107 = vector.broadcast %mul3A_106 : f32 to vector<12800xf32>
    %mul3A_108 = arith.mulf %mul3A_107, %get3A_74 : vector<12800xf32>
    %mul3A_109 = arith.mulf %mul3A_108, %get3A_78 : vector<12800xf32>
    %mul3A_110 = arith.mulf %mul3A_100, %mul3A_109 : vector<12800xf32>
    %mul3A_111 = arith.mulf %get3A_78, %get3A_78 : vector<12800xf32>
    %mul3A_112 = arith.mulf %get3A_74, %get3A_74 : vector<12800xf32>
    %mul3A_113 = arith.mulf %get3A_82, %get3A_82 : vector<12800xf32>
    %add3A_114 = arith.addf %mul3A_112, %mul3A_113 : vector<12800xf32>
    %mul3A_115 = arith.constant 5.000000e-01 : f32
    %mul3A_116 = vector.broadcast %mul3A_115 : f32 to vector<12800xf32>
    %mul3A_117 = arith.mulf %mul3A_116, %add3A_114 : vector<12800xf32>
    %sub3A = arith.subf %mul3A_111, %mul3A_117 : vector<12800xf32>
    %mul3A_118 = arith.mulf %mul3A_100, %sub3A : vector<12800xf32>
    %mul3A_119 = arith.constant 1.73205078 : f32
    %mul3A_120 = vector.broadcast %mul3A_119 : f32 to vector<12800xf32>
    %mul3A_121 = arith.mulf %mul3A_120, %get3A_78 : vector<12800xf32>
    %mul3A_122 = arith.mulf %mul3A_121, %get3A_82 : vector<12800xf32>
    %mul3A_123 = arith.mulf %mul3A_100, %mul3A_122 : vector<12800xf32>
    %mul3A_124 = arith.mulf %get3A_82, %get3A_82 : vector<12800xf32>
    %mul3A_125 = arith.mulf %get3A_74, %get3A_74 : vector<12800xf32>
    %sub3A_126 = arith.subf %mul3A_124, %mul3A_125 : vector<12800xf32>
    %mul3A_127 = arith.constant 0.866025388 : f32
    %mul3A_128 = vector.broadcast %mul3A_127 : f32 to vector<12800xf32>
    %mul3A_129 = arith.mulf %mul3A_128, %sub3A_126 : vector<12800xf32>
    %mul3A_130 = arith.mulf %mul3A_100, %mul3A_129 : vector<12800xf32>
    %broadcast_in_dim3A = arith.constant 0.000000e+00 : f32
    %broadcast_in_dim3A_131 = vector.broadcast %broadcast_in_dim3A : f32 to vector<12800xf32>
    %stack3A = vector.shape_cast %mul3A_95 : vector<12800xf32> to vector<1x12800xf32>
    %stack3A_132 = vector.shape_cast %mul3A_105 : vector<12800xf32> to vector<1x12800xf32>
    %stack3A_133 = vector.shape_cast %mul3A_110 : vector<12800xf32> to vector<1x12800xf32>
    %stack3A_134 = vector.shape_cast %mul3A_118 : vector<12800xf32> to vector<1x12800xf32>
    %stack3A_135 = vector.shape_cast %mul3A_123 : vector<12800xf32> to vector<1x12800xf32>
    %stack3A_136 = vector.shape_cast %mul3A_130 : vector<12800xf32> to vector<1x12800xf32>
    %stack3A_137 = vector.shape_cast %broadcast_in_dim3A_131 : vector<12800xf32> to vector<1x12800xf32>
    %stack3A_138 = vector.shape_cast %broadcast_in_dim3A_131 : vector<12800xf32> to vector<1x12800xf32>
    %stack3A_139 = tpu.concatenate %stack3A, %stack3A_132, %stack3A_133, %stack3A_134, %stack3A_135, %stack3A_136, %stack3A_137, %stack3A_138 in 0 : vector<1x12800xf32>, vector<1x12800xf32>, vector<1x12800xf32>, vector<1x12800xf32>, vector<1x12800xf32>, vector<1x12800xf32>, vector<1x12800xf32>, vector<1x12800xf32> -> vector<8x12800xf32>
    %bitcast_convert_type3A = tpu.bitcast %get3A_94 : vector<12800xf32> -> vector<12800xi32>
    %and3A = arith.constant 31 : i32
    %and3A_140 = vector.broadcast %and3A : i32 to vector<12800xi32>
    %and3A_141 = arith.andi %bitcast_convert_type3A, %and3A_140 : vector<12800xi32>
    %broadcast_in_dim3A_142 = vector.shape_cast %and3A_141 : vector<12800xi32> to vector<1x12800xi32>
    %iota3A = tpu.iota {dimensions = array<i32: 0>} : vector<32x1xi32>
    %eq3A_143 = vector.broadcast %broadcast_in_dim3A_142 : vector<1x12800xi32> to vector<32x12800xi32>
    %eq3A_144 = vector.broadcast %iota3A : vector<32x1xi32> to vector<32x12800xi32>
    %eq3A_145 = arith.cmpi eq, %eq3A_143, %eq3A_144 : vector<32x12800xi32>
    %convert_element_type3A_146 = arith.extui %eq3A_145 : vector<32x12800xi1> to vector<32x12800xi32>
    %convert_element_type3A_147 = arith.sitofp %convert_element_type3A_146 : vector<32x12800xi32> to vector<32x12800xf32>
    %get3A_148 = arith.constant 0 : index
    %get3A_149 = arith.constant 0 : index
    %get3A_150 = vector.load %arg12[%get3A_148, %get3A_149] : memref<32x8xf32, #tpu.memory_space<vmem>>, vector<32x8xf32>
    %dot_general3A_151 = arith.constant dense<0.000000e+00> : vector<32x8xf32>
    %dot_general3A_152 = tpu.matmul %convert_element_type3A_147, %stack3A_139, %dot_general3A_151 {dimension_numbers = #tpu.dot_dimension_numbers<[1], [1], [0], [0], [0, 0, 1, 0], [], []>, transpose_lhs_hint = false} : vector<32x12800xf32>, vector<8x12800xf32>, vector<32x8xf32> -> vector<32x8xf32>
    %add3A_153 = arith.addf %get3A_150, %dot_general3A_152 : vector<32x8xf32>
    %swap3A = arith.constant 0 : index
    %swap3A_154 = arith.constant 0 : index
    %swap3A_155 = vector.load %arg12[%swap3A, %swap3A_154] : memref<32x8xf32, #tpu.memory_space<vmem>>, vector<32x8xf32>
    tpu.vector_store %arg12[%swap3A, %swap3A_154], %add3A_153 {strides = array<i32>} : memref<32x8xf32, #tpu.memory_space<vmem>>, vector<32x8xf32>,
    %eq3A_156 = arith.constant 24 : i32
    %eq3A_157 = arith.cmpi eq, %arg0, %eq3A_156 : i32
    %convert_element_type3A_158 = arith.extui %eq3A_157 : i1 to i32
    %cond3A_159 = arith.constant 0 : i32
    %cond3A_160 = arith.cmpi ne, %convert_element_type3A_158, %cond3A_159 : i32
    scf.if %cond3A_160 {
      %get3A_161 = arith.constant 0 : index
      %get3A_162 = arith.constant 0 : index
      %get3A_163 = vector.load %arg12[%get3A_161, %get3A_162] : memref<32x8xf32, #tpu.memory_space<vmem>>, vector<32x8xf32>
      %get3A_164 = arith.constant 0 : index
      %get3A_165 = arith.constant 0 : index
      %get3A_166 = vector.load %arg10[%get3A_164, %get3A_165] : memref<8x9xf32, #tpu.memory_space<vmem>>, vector<8x9xf32>
      %dot_general3A_167 = arith.constant dense<0.000000e+00> : vector<32x9xf32>
      %dot_general3A_168 = tpu.matmul %get3A_163, %get3A_166, %dot_general3A_167 {dimension_numbers = #tpu.dot_dimension_numbers<[1], [0], [0], [1], [0, 0, 1, 1], [], []>, transpose_lhs_hint = false} : vector<32x8xf32>, vector<8x9xf32>, vector<32x9xf32> -> vector<32x9xf32>
      %swap3A_169 = arith.constant 0 : index
      %swap3A_170 = arith.constant 0 : index
      %swap3A_171 = vector.load %arg11[%swap3A_169, %swap3A_170] : memref<32x9xf32, #tpu.memory_space<vmem>>, vector<32x9xf32>
      tpu.vector_store %arg11[%swap3A_169, %swap3A_170], %dot_general3A_168 {strides = array<i32>} : memref<32x9xf32, #tpu.memory_space<vmem>>, vector<32x9xf32>,
    } else {
    }
    return
  }
  func.func @transform_0(%arg0: i32) -> (i32, i32, i32) {
    %c0_i32 = arith.constant 0 : i32
    %c0_i32_0 = arith.constant 0 : i32
    %c0_i32_1 = arith.constant 0 : i32
    return %arg0, %c0_i32, %c0_i32_0 : i32, i32, i32
  }
  func.func @transform_1(%arg0: i32) -> (i32, i32) {
    %c0_i32 = arith.constant 0 : i32
    %c0_i32_0 = arith.constant 0 : i32
    return %arg0, %c0_i32 : i32, i32
  }
  func.func @transform_2(%arg0: i32) -> (i32, i32) {
    %c0_i32 = arith.constant 0 : i32
    %c0_i32_0 = arith.constant 0 : i32
    return %c0_i32, %arg0 : i32, i32
  }
  func.func @transform_3(%arg0: i32) -> (i32, i32) {
    %c0_i32 = arith.constant 0 : i32
    %c0_i32_0 = arith.constant 0 : i32
    %c0_i32_1 = arith.constant 0 : i32
    return %c0_i32, %c0_i32_0 : i32, i32
  }
  func.func @transform_4(%arg0: i32) -> (i32, i32) {
    %c0_i32 = arith.constant 0 : i32
    %c0_i32_0 = arith.constant 0 : i32
    %c0_i32_1 = arith.constant 0 : i32
    return %c0_i32, %c0_i32_0 : i32, i32
  }
  func.func @transform_5(%arg0: i32) -> (i32, i32) {
    %c0_i32 = arith.constant 0 : i32
    %c0_i32_0 = arith.constant 0 : i32
    %c0_i32_1 = arith.constant 0 : i32
    return %c0_i32, %c0_i32_0 : i32, i32
  }
  func.func @transform_6(%arg0: i32) -> (i32, i32) {
    %c0_i32 = arith.constant 0 : i32
    %c0_i32_0 = arith.constant 0 : i32
    %c0_i32_1 = arith.constant 0 : i32
    return %c0_i32, %c0_i32_0 : i32, i32
  }
  func.func @transform_7(%arg0: i32) -> (i32, i32) {
    %c0_i32 = arith.constant 0 : i32
    %c0_i32_0 = arith.constant 0 : i32
    %c0_i32_1 = arith.constant 0 : i32
    return %c0_i32, %c0_i32_0 : i32, i32
  }
  func.func @transform_8(%arg0: i32) -> (i32, i32) {
    %c0_i32 = arith.constant 0 : i32
    %c0_i32_0 = arith.constant 0 : i32
    %c0_i32_1 = arith.constant 0 : i32
    return %c0_i32, %c0_i32_0 : i32, i32
  }
  func.func @transform_9(%arg0: i32) -> (i32, i32) {
    %c0_i32 = arith.constant 0 : i32
    %c0_i32_0 = arith.constant 0 : i32
    %c0_i32_1 = arith.constant 0 : i32
    return %c0_i32, %c0_i32_0 : i32, i32
  }
  func.func @transform_10(%arg0: i32) -> (i32, i32) {
    %c0_i32 = arith.constant 0 : i32
    %c0_i32_0 = arith.constant 0 : i32
    %c0_i32_1 = arith.constant 0 : i32
    return %c0_i32, %c0_i32_0 : i32, i32
  }
}

</mosaic_0001>

<sc_bundles>
// kernel: kernel.4.cloned.1.call-start
scs
__scs_entry_jumppad:
0x0: {  	(pc) =	sbr.rel $0x88, $3  }
0x1: {  	(tag) =	ssettag $0x0;
	lr =	simm.s32 $0x1  }
0x2: {  	[smem:$0x3F94] =	sst lr;
	_ =	strace $0xD0000000  }
0x3: {  	_ = 	snop  }
0x4: {  	_ = 	snop  }
0x5: {  	_ = 	snop  }
0x6: {  	_ = 	snop  }
0x7: {  	_ = 	snop  }
__scs_overlays_trampoline_lowered:
0x8: {  	[smem:$0x3FA3] =	sst s0  }
0x9: {  	[smem:$0x3FA4] =	sst s1  }
0xa: {  	[smem:$0x3FA5] =	sst s2  }
0xb: {  	[smem:$0x3FA6] =	sst s3  }
0xc: {  	[smem:$0x3FA7] =	sst s4  }
0xd: {  	[smem:$0x3FA8] =	sst s5  }
0xe: {  	[smem:$0x3FA9] =	sst s6  }
0xf: {  	[smem:$0x3FAA] =	sst s7  }
0x10: {  	[smem:$0x3FAB] =	sst s8  }
0x11: {  	[smem:$0x3FAC] =	sst s9;
	s0 =	simm.s32 @!p0 $0x0  }
0x12: {  	s1 =	sld [smem:$0x3F92];
	s0 =	simm.s32 @p0 $0x1  }
0x13: {  	[smem:$0x3FAD] =	sst s0;
	s0 =	simm.s32 @!p1 $0x0  }
0x14: {  	s2 =	sld [smem:$0x3F91];
	s0 =	simm.s32 @p1 $0x1  }
0x15: {  	[smem:$0x3FAE] =	sst s0;
	s0 =	simm.s32 @!p2 $0x0  }
0x16: {  	s3 =	sld [smem:$0x3FDB];
	s0 =	simm.s32 @p2 $0x1  }
0x17: {  	s4 =	simm.s32 $0x1BF5;
	[smem:$0x3FB0] =	sst s0  }
0x18: {  	s0 =	sld [smem:$0x3F93];
	_ =	swait.ge [sflag:s4], $0x0  }
0x19: {  	s7 =	sld [smem:$0x3F94]  }
0x1a: {  	s8 =	sadd.s32 $0xFFFFE003, lr  }
0x1b: {  	s9 =	sadd.s32 $0xFFFFFEF7, lr;
	s5 =	simm.s32 $0xFFFFFFFF;
	p2 =	slt.u32 s8, $0xFFFFF086  }
0x1c: {  	p1 =	slt.u32 s9, $0xF7A;
	s5 =	simm.s32 @!p2 $0x0  }
0x1d: {  	s5 =	simm.s32 @p1 $0x1;
	p0 =	seq.s32 s7, s2  }
0x1e: {  	s7 =	smul.u32 @!p0 $0xF7A, s2;
	p2 =	seq.s32 @!p0 s5, $0x0  }
0x1f: {  	s9 =	smul.u32 $0xF7A, s1;
	s8 =	simm.s32 @!p0 $0x1BF5;
	p2 =	por !p2, p0  }
0x20: {  	[sflag:s8] =	ssyncset.s32 @!p0 $0xFFFFF086;
	s6 =	sadd.s32 @!p0 s3, s7;
	s7 =	simm.s32 @!p0 $0x108  }
0x21: {  	s3 =	sadd.s32 s3, s9;
	s6 =	sadd.s32 @!p0 $0x88, s6;
	s7 =	simm.s32 @p2 $0x1082  }
0x22: {  	[simem:s7], [sflag:s8] =	dma.local @!p0 [hbm:s6], $0xF7A  }
0x23: {  	s9 =	sor.u32 $0xD0000000, s2;
	s6 =	simm.s32 $0x108;
	_ =	swait.ge @!p0 [sflag:s8], $0x0  }
0x24: {  	s3 =	sadd.s32 $0x88, s3;
	s6 =	simm.s32 @!p1 $0x1082;
	[sflag:s4] =	ssyncset.s32 $0xFFFFF086  }
0x25: {  	[simem:s6], [sflag:s4] =	dma.local [hbm:s3], $0xF7A  }
0x26: {  	[smem:$0x3F94] =	sst s1;
	(tag) =	ssettag s2;
	_ =	strace s9  }
0x27: {  	s1 =	sld [smem:$0x3FA4]  }
0x28: {  	s2 =	sld [smem:$0x3FA5]  }
0x29: {  	s4 =	sld [smem:$0x3FA7]  }
0x2a: {  	p0 =	seq.s32 s5, $0x0;
	s5 =	sld [smem:$0x3FA8]  }
0x2b: {  	s6 =	sld [smem:$0x3FA9]  }
0x2c: {  	s7 =	sld [smem:$0x3FAA]  }
0x2d: {  	s3 =	simm.s32 $0x108;
	s8 =	sld [smem:$0x3FAB]  }
0x2e: {  	s3 =	simm.s32 @!p0 $0x1082;
	s9 =	sld [smem:$0x3FAC]  }
0x2f: {  	lr =	sadd.s32 s0, s3;
	s0 =	sld [smem:$0x3FA3]  }
0x30: {  	s3 =	sld [smem:$0x3FA6]  }
0x31: {  	[smem:$0x3FAF] =	sst s10  }
0x32: {  	s10 =	sld [smem:$0x3FAD];
	_ =	sdelay $0x3  }
0x33: {  	p0 =	seq.s32 s10, $0x1;
	s10 =	sld [smem:$0x3FAF];
	_ =	sdelay $0x3  }
0x34: {  	[smem:$0x3FAF] =	sst s10  }
0x35: {  	s10 =	sld [smem:$0x3FAE];
	_ =	sdelay $0x3  }
0x36: {  	p1 =	seq.s32 s10, $0x1;
	s10 =	sld [smem:$0x3FAF];
	_ =	sdelay $0x3  }
0x37: {  	[smem:$0x3FAF] =	sst s10  }
0x38: {  	s10 =	sld [smem:$0x3FB0]  }
0x39: {  	_ = 	snop;
	(pc) =	sbr.ind lr, $3  }
0x3a: {  	_ = 	snop  }
0x3b: {  	_ = 	snop  }
0x3c: {  	p2 =	seq.s32 s10, $0x1;
	s10 =	sld [smem:$0x3FAF]  }
0x3d: {  	_ =	shalt  }
0x3e: {  	_ =	shalt  }
0x3f: {  	_ =	shalt  }
0x40: {  	_ =	shalt  }
0x41: {  	_ =	shalt  }
0x42: {  	_ =	shalt  }
0x43: {  	_ =	shalt  }
0x44: {  	_ =	shalt  }
0x45: {  	_ =	shalt  }
0x46: {  	_ =	shalt  }
0x47: {  	_ =	shalt  }
0x48: {  	_ =	shalt  }
0x49: {  	_ =	shalt  }
0x4a: {  	_ =	shalt  }
0x4b: {  	_ =	shalt  }
0x4c: {  	_ =	shalt  }
0x4d: {  	_ =	shalt  }
0x4e: {  	_ =	shalt  }
0x4f: {  	_ =	shalt  }
0x50: {  	_ =	shalt  }
0x51: {  	_ =	shalt  }
0x52: {  	_ =	shalt  }
0x53: {  	_ =	shalt  }
0x54: {  	_ =	shalt  }
0x55: {  	_ =	shalt  }
0x56: {  	_ =	shalt  }
0x57: {  	_ =	shalt  }
0x58: {  	_ =	shalt  }
0x59: {  	_ =	shalt  }
0x5a: {  	_ =	shalt  }
0x5b: {  	_ =	shalt  }
0x5c: {  	_ =	shalt  }
0x5d: {  	_ =	shalt  }
0x5e: {  	_ =	shalt  }
0x5f: {  	_ =	shalt  }
0x60: {  	_ =	shalt  }
0x61: {  	_ =	shalt  }
0x62: {  	_ =	shalt  }
0x63: {  	_ =	shalt  }
0x64: {  	_ =	shalt  }
0x65: {  	_ =	shalt  }
0x66: {  	_ =	shalt  }
0x67: {  	_ =	shalt  }
0x68: {  	_ =	shalt  }
0x69: {  	_ =	shalt  }
0x6a: {  	_ =	shalt  }
0x6b: {  	_ =	shalt  }
0x6c: {  	_ =	shalt  }
0x6d: {  	_ =	shalt  }
0x6e: {  	_ =	shalt  }
0x6f: {  	_ =	shalt  }
0x70: {  	_ =	shalt  }
0x71: {  	_ =	shalt  }
0x72: {  	_ =	shalt  }
0x73: {  	_ =	shalt  }
0x74: {  	_ =	shalt  }
0x75: {  	_ =	shalt  }
0x76: {  	_ =	shalt  }
0x77: {  	_ =	shalt  }
0x78: {  	_ =	shalt  }
0x79: {  	_ =	shalt  }
0x7a: {  	_ =	shalt  }
0x7b: {  	_ =	shalt  }
0x7c: {  	_ =	shalt  }
0x7d: {  	_ =	shalt  }
0x7e: {  	_ =	shalt  }
0x7f: {  	_ =	shalt  }
0x80: {  	_ =	shalt  }
0x81: {  	_ =	shalt  }
0x82: {  	_ =	shalt  }
0x83: {  	_ =	shalt  }
0x84: {  	_ =	shalt  }
0x85: {  	_ =	shalt  }
0x86: {  	_ =	shalt  }
0x87: {  	_ =	shalt  }
.Lfunc_end0:
.L_simem_size_0:
called_computation_lowered:
.L_overlay_start_0:
0x88: {  	s2 =	sld [smem:$0x3FD9]  }
0x89: {  	s3 =	sld [smem:$0x3FFE];
	_ =	sdelay $0x1  }
0x8a: {  	s1 =	srdreg.scid  }
0x8b: {  	s0 =	sand.u32 $0x1, s1  }
0x8c: {  	s17 =	sshll.u32 s0, $0xA;
	s2 =	sadd.s32 s3, s2  }
0x8d: {  	s2 =	sadd.s32 s2, s17  }
0x8e: {  	[smem:$0x3FBB] =	sst s2  }
0x8f: {  	_ = 	snop  }
0x90: {  	s2 =	sld [smem:$0x3FC7]  }
0x91: {  	s18 =	sld [smem:$0x3FC6];
	(tm) =	ssettm $0x1  }
0x92: {  	s4 =	sld [smem:$0x3FFB];
	_ =	sdelay $0x3  }
0x93: {  	_ =	strace s4  }
0x94: {  	s4 =	sld [smem:$0x3FFC];
	_ =	sdelay $0x3  }
0x95: {  	_ =	strace s4  }
0x96: {  	s4 =	sld [smem:$0x3FFD];
	_ =	sdelay $0x3  }
0x97: {  	_ =	strace s4  }
0x98: {  	_ =	strace $0x8FFFFFFF  }
0x99: {  	s19 =	sld [smem:$0x3FDB];
	_ =	sdelay $0x1  }
0x9a: {  	s5 =	simm.s32 $_scs_section_size  }
0x9b: {  	s6 =	simm.s32 $_size__tile_overlayer_lowered;
	s7 =	simm.s32 $_tile_overlayer_lowered  }
0x9c: {  	s22 =	simm.s32 $0x1BFF;
	s21 =	sshll.u32 s7, $0x1;
	s4 =	sadd.s32 s5, s19  }
0x9d: {  	s8 =	simm.s32 $0x0;
	s20 =	sshll.u32 s6, $0x1;
	s6 =	sadd.s32 s21, s4  }
0x9e: {  	[timem:s8], [sflag:s22] =	dma.local [hbm:s6], s20  }
0x9f: {  	_ =	swait.ge [sflag:s22], s20  }
0xa0: {  	s5 =	ssub.s32 $0x0, s20;
	[sflag:s22] =	ssyncset.done $0x0  }
0xa1: {  	[sflag:s22] =	ssyncadd.s32 s5;
	_ =	sdelay $0x1  }
0xa2: {  	s23 =	simm.s32 $0x1B8B  }
0xa3: {  	_ =	swait.ge [sflag:s23], $0x1  }
0xa4: {  	[sflag:s23] =	ssyncset.done $0x0  }
0xa5: {  	s25 =	simm.s32 $0x1B8E;
	s24 =	sld [smem:$0x3FFE];
	[sflag:s23] =	ssyncadd.s32 $0xFFFFFFFF  }
0xa6: {  	s26 =	simm.s32 $execute0_lowered;
	[smem:$0x3FD2] =	sst s25  }
0xa7: {  	s6 =	sshll.u32 s26, $0x1;
	_ =	strace $0x80000046;
	[dreg:$0x1] =	wrdreg $0xFFFFFFFF  }
0xa8: {  	s28 =	simm.s32 $_size_execute0_lowered;
	s4 =	sadd.s32 s4, s6;
	[dreg:$0x0] =	wrdreg $0x0  }
0xa9: {  	s6 =	sshll.u32 s28, $0x1;
	[dreg:$0x2] =	wrdreg s4  }
0xaa: {  	[dreg:$0x3] =	wrdreg s6  }
0xab: {  	[dreg:$0x4] =	wrdreg $0xC0  }
0xac: {  	_ =	task [dreg:s8], $0x5FFFF  }
0xad: {  	[dreg:$0x1] =	wrdreg $0xFFFFFFFF  }
0xae: {  	[dreg:$0x0] =	wrdreg $0x60  }
0xaf: {  	[dreg:$0x2] =	wrdreg s2  }
0xb0: {  	[dreg:$0x3] =	wrdreg s18  }
0xb1: {  	[dreg:$0x4] =	wrdreg s24  }
0xb2: {  	[dreg:$0x5] =	wrdreg $0x116800  }
0xb3: {  	[dreg:$0x6] =	wrdreg $0x9  }
0xb4: {  	_ =	task.clear_ibuf [dreg:s8], $0x7FFFF;
	_ =	strace $0x90000046  }
0xb5: {  	s29 =	simm.s32 $0x9;
	_ =	strace $0x80000048  }
0xb6: {  	_ =	swait.ge [sflag:s29], $0x1  }
0xb7: {  	[sflag:s29] =	ssyncadd.s32 $0xFFFFFFFF  }
0xb8: {  	_ =	strace $0x90000048  }
0xb9: {  	_ =	sfence  }
0xba: {  	s30 =	sld [smem:$0x0];
	_ =	sdelay $0x2  }
0xbb: {  	s31 =	sshll.u32 s1, $0xD;
	s1 =	sshrl.u32 s1, $0x2  }
0xbc: {  	s3 =	sand.u32 $0x4000, s31;
	s1 =	sadd.s32 s1, s30  }
0xbd: {  	s0 =	sor.u32 s3, s0;
	s1 =	sshll.u32 s1, $0x11  }
0xbe: {  	s0 =	sor.u32 s1, s0  }
0xbf: {  	s0 =	sadd.s32 $0x8F2B, s0  }
0xc0: {  	[sflag:s0] =	ssyncadd.remote.s32 $0x1  }
0xc1: {  	_ =	sfence.sel $0xFFFF  }
0xc2: {  	[dreg:$0x0] =	wrdreg $0xFFFFFFFF;
	(pc) =	sbr.abs _section_cstart, $3  }
0xc3: {  	[dreg:$0x1] =	wrdreg $0xFFFFFFFF  }
0xc4: {  	_ =	task.clear_ibuf [dreg:s8], $0x2FFFF;
	_ =	strace $0x9FFFFFFF  }
0xc5: {  	(tm) =	ssettm $0x7FFFFFFF  }
tec
execute0_lowered:
.L_overlay_start_1:
0x0: {  	(tag) =	ssettag $0x1  }
0x1: {  	s4 =	rddreg [dreg:$0x0]  }
0x2: {  	s0 =	rddreg [dreg:$0x1]  }
0x3: {  	s1 =	srdreg.scid;
	s5 =	rddreg [dreg:$0x2]  }
0x4: {  	s7 =	stileid.u32;
	s2 =	rddreg [dreg:$0x3];
	s3 =	simm.s32 $0x0  }
0x5: {  	s13 =	simm.s32 $0xEE00;
	s14 =	simm.s32 $0x9E80;
	s15 =	simm.s32 $0xEF00  }
0x6: {  	s6 =	sand.u32 $0x1, s1;
	s8 =	smul.u32 $0x4E20, s7;
	s1 =	rddreg [dreg:$0x4]  }
0x7: {  	[smem:$0x7FF] =	sst s3;
	p0 =	sne.s32 s7, $0x0;
	s12 =	smul.u32 $0x9C40, s6  }
0x8: {  	s7 =	simm.s32 $0x1;
	s9 =	smul.u32 $0x2710, s6;
	s10 =	ssub.s32 $0x2, s6  }
0x9: {  	_ =	strace $0x80000047;
	s11 =	sshrl.u32 s10, $0x1;
	s31 =	sshrl.u32 s12, $0x2  }
0xa: {  	s9 =	sadd.s32 s9, s8;
	s8 =	sshrl.u32 s8, $0x3;
	s16 =	sadd.s32 $0x20, s31  }
0xb: {  	s30 =	ssub.s32 s10, s11;
	s10 =	simm.s32 $0xEE80;
	s11 =	simm.s32 $0x4E80;
	v7 =	vmov s16  }
0xc: {  	v1 =	vlaneseq.u32;
	s12 =	simm.s32 $0xC680;
	s9 =	sshrl.u32 s9, $0x3;
	s4 =	sadd.s32 s4, s8  }
0xd: {  	v0 =	vimm.f32 $0.0e+00;
	v2 =	vimm.f32 $1.000000000e+00;
	v3 =	vor.u32 $0x10, v1;
	s6 =	smax.u32 s30, $0x1;
	s8 =	simm.s32 $0x7680;
	s5 =	sadd.s32 s9, s5  }
0xe: {  	v4 =	vor.u32 $0x20, v1;
	v5 =	vor.u32 $0x30, v1;
	v6 =	vor.u32 $0x40, v1;
	s9 =	simm.s32 $0x50;
	s16 =	simm.s32 $0x0;
	s5 =	sadd.s32 $0x1400, s5  }
.LBB2_1:
0xf: {  	s17 =	simm.s32 $0x0;
	s18 =	simm.s32 $0x200  }
.LBB2_2:
0x10: {  	p1 =	sne.s32 s18, $0x9E00;
	[tilespmem:s17+$0x76F0] =	vst v0  }
0x11: {  	[tilespmem:s17+$0x4E80] =	vst v0  }
0x12: {  	[tilespmem:s17+$0x7680] =	vst v0  }
0x13: {  	[tilespmem:s17+$0x4E90] =	vst v0  }
0x14: {  	[tilespmem:s17+$0x7690] =	vst v0  }
0x15: {  	[tilespmem:s17+$0x4EA0] =	vst v0  }
0x16: {  	[tilespmem:s17+$0x76A0] =	vst v0  }
0x17: {  	[tilespmem:s17+$0x4EB0] =	vst v0  }
0x18: {  	[tilespmem:s17+$0x76B0] =	vst v0  }
0x19: {  	[tilespmem:s17+$0x4EC0] =	vst v0  }
0x1a: {  	[tilespmem:s17+$0x76C0] =	vst v0  }
.Ltmp0:
0x1b: {  	[tilespmem:s17+$0x4ED0] =	vst v0;
	(pc) =	sbr.rel @p1 .LBB2_2-.Ltmp0, $4  }
0x1c: {  	[tilespmem:s17+$0x76D0] =	vst v0  }
0x1d: {  	[tilespmem:s17+$0x4EE0] =	vst v0  }
0x1e: {  	[tilespmem:s17+$0x76E0] =	vst v0  }
0x1f: {  	[tilespmem:s17+$0x4EF0] =	vst v0;
	s17 =	sshra.s32 s18, $0x2;
	s18 =	sadd.s32 $0x200, s18  }
0x20: {  	[tilespmem:s17+$0x76F0] =	vst v0  }
0x21: {  	[tilespmem:s17+$0x4E80] =	vst v0  }
0x22: {  	[tilespmem:s17+$0x7680] =	vst v0  }
0x23: {  	[tilespmem:s17+$0x4E90] =	vst v0  }
0x24: {  	[tilespmem:s17+$0x7690] =	vst v0  }
0x25: {  	[tilespmem:s17+$0x4EA0] =	vst v0  }
0x26: {  	[tilespmem:s17+$0x76A0] =	vst v0  }
0x27: {  	[tilespmem:s17+$0x4EB0] =	vst v0  }
0x28: {  	[tilespmem:s17+$0x76B0] =	vst v0  }
0x29: {  	[tilespmem:s17+$0x4EC0] =	vst v0  }
0x2a: {  	[tilespmem:s17+$0x76C0] =	vst v0  }
0x2b: {  	[tilespmem:s17+$0x4ED0] =	vst v0  }
0x2c: {  	[tilespmem:s17+$0x76D0] =	vst v0  }
0x2d: {  	[tilespmem:s17+$0x4EE0] =	vst v0  }
0x2e: {  	[tilespmem:s17+$0x76E0] =	vst v0  }
0x2f: {  	[tilespmem:s17+$0x4EF0] =	vst v0;
	s17 =	simm.s32 @!p0 $0x4E80  }
0x30: {  	[spmem:s2] =	stream.linear.scatter @!p0 [tilespmem:s17], [sflag:$0x1], $0x2800, $0x38;
	[tilespmem:$0x11900] =	vst v63  }
0x31: {  	s17 =	simm.s32 @!p0 $0x1  }
0x32: {  	_ =	swait.ge @!p0 [sflag:s17], $0x2800  }
0x33: {  	[sflag:s17] =	ssyncset.done @!p0 $0x0  }
0x34: {  	[sflag:s17] =	ssyncadd.s32 @!p0 $0xFFFFD800;
	s17 =	simm.s32 $0x0  }
0x35: {  	[tilespmem:s17], [sflag:$0x1] =	stream.linear.gather [hbm4b:s4+s17], $0x4E20, $0x38;
	[tilespmem:$0x11900] =	vst v63  }
0x36: {  	_ =	swait.ge [sflag:s7], $0x4E20  }
0x37: {  	[sflag:s7] =	ssyncset.done $0x0  }
0x38: {  	[sflag:s7] =	ssyncadd.s32 $0xFFFFB1E0  }
0x39: {  	[bflag:$0x0] =	sbarrier.arrive $0xFFFF  }
.LBB2_4:
0x3a: {  	s18 =	sshra.s32 s17, $0x2  }
0x3b: {  	v8 =	vld [tilespmem:s18+$0x0];
	_ =	sdelay $0x7  }
0x3c: {  	[tilespmem:v8+s8+$0x0] =	vst.idx.add.f32.msk $0xffff, v2  }
0x3d: {  	v8 =	vld [tilespmem:s18+$0x10];
	_ =	sdelay $0x7  }
0x3e: {  	[tilespmem:v8+s8+$0x0] =	vst.idx.add.f32.msk $0xffff, v2  }
0x3f: {  	v8 =	vld [tilespmem:s18+$0x20];
	_ =	sdelay $0x7  }
0x40: {  	[tilespmem:v8+s8+$0x0] =	vst.idx.add.f32.msk $0xffff, v2  }
0x41: {  	v8 =	vld [tilespmem:s18+$0x30];
	_ =	sdelay $0x7  }
0x42: {  	[tilespmem:v8+s8+$0x0] =	vst.idx.add.f32.msk $0xffff, v2  }
0x43: {  	v8 =	vld [tilespmem:s18+$0x40];
	_ =	sdelay $0x2  }
0x44: {  	p1 =	sne.s32 s17, $0x13740  }
.Ltmp1:
0x45: {  	_ = 	snop;
	(pc) =	sbr.rel @p1 .LBB2_4-.Ltmp1, $2  }
0x46: {  	_ =	sdelay $0x2  }
0x47: {  	s17 =	sadd.s32 $0x140, s17;
	[tilespmem:v8+s8+$0x0] =	vst.idx.add.f32.msk $0xffff, v2  }
0x48: {  	s17 =	simm.s32 $0x0  }
0x49: {  	v11 =	vld [tilespmem:s17+$0x76F0]  }
0x4a: {  	v12 =	vld [tilespmem:s17+$0x7680]  }
0x4b: {  	v13 =	vld [tilespmem:s17+$0x7690]  }
0x4c: {  	v10 =	vld [tilespmem:s17+$0x76A0]  }
0x4d: {  	v8 =	vld [tilespmem:s17+$0x76B0]  }
0x4e: {  	v9 =	vld [tilespmem:s17+$0x76C0];
	[tilespmem:s17+$0x4EF0] =	vst v11  }
0x4f: {  	[tilespmem:s17+$0x4E80] =	vst v12;
	v11 =	vld [tilespmem:s17+$0x76D0]  }
0x50: {  	s18 =	simm.s32 $0x80;
	s19 =	simm.s32 $0x400;
	[tilespmem:s17+$0x4E90] =	vst v13;
	v12 =	vld [tilespmem:s17+$0x76E0]  }
.LBB2_6:
0x51: {  	p1 =	sne.s32 s19, $0x9E00;
	v13 =	vld [tilespmem:s18+$0x76F0];
	[tilespmem:s17+$0x4EA0] =	vst v10  }
0x52: {  	v14 =	vld [tilespmem:s18+$0x7680];
	[tilespmem:s17+$0x4EB0] =	vst v8  }
0x53: {  	v15 =	vld [tilespmem:s18+$0x7690];
	[tilespmem:s17+$0x4EC0] =	vst v9  }
.Ltmp2:
0x54: {  	v10 =	vld [tilespmem:s18+$0x76A0];
	[tilespmem:s17+$0x4ED0] =	vst v11;
	(pc) =	sbr.rel @p1 .LBB2_6-.Ltmp2, $4  }
0x55: {  	v8 =	vld [tilespmem:s18+$0x76B0];
	[tilespmem:s17+$0x4EE0] =	vst v12;
	s17 =	smov.u32 s18  }
0x56: {  	v9 =	vld [tilespmem:s17+$0x76C0];
	[tilespmem:s17+$0x4EF0] =	vst v13  }
0x57: {  	[tilespmem:s17+$0x4E80] =	vst v14;
	v11 =	vld [tilespmem:s17+$0x76D0]  }
0x58: {  	s18 =	sshra.s32 s19, $0x2;
	s19 =	sadd.s32 $0x200, s19;
	[tilespmem:s17+$0x4E90] =	vst v15;
	v12 =	vld [tilespmem:s17+$0x76E0]  }
0x59: {  	v13 =	vld [tilespmem:s18+$0x76F0];
	[tilespmem:s17+$0x4EA0] =	vst v10  }
0x5a: {  	v10 =	vld [tilespmem:s18+$0x7680];
	[tilespmem:s17+$0x4EB0] =	vst v8  }
0x5b: {  	v8 =	vld [tilespmem:s18+$0x7690];
	[tilespmem:s17+$0x4EC0] =	vst v9  }
0x5c: {  	v9 =	vld [tilespmem:s18+$0x76A0];
	[tilespmem:s17+$0x4ED0] =	vst v11  }
0x5d: {  	v11 =	vld [tilespmem:s18+$0x76B0];
	[tilespmem:s17+$0x4EE0] =	vst v12  }
0x5e: {  	v12 =	vld [tilespmem:s18+$0x76C0];
	[tilespmem:s18+$0x4EF0] =	vst v13  }
0x5f: {  	[tilespmem:s18+$0x4E80] =	vst v10;
	v10 =	vld [tilespmem:s18+$0x76D0]  }
0x60: {  	[tilespmem:s18+$0x4E90] =	vst v8;
	v8 =	vld [tilespmem:s18+$0x76E0]  }
0x61: {  	[tilespmem:s18+$0x4EA0] =	vst v9  }
0x62: {  	[tilespmem:s18+$0x4EB0] =	vst v11  }
0x63: {  	[tilespmem:s18+$0x4EC0] =	vst v12  }
0x64: {  	[tilespmem:s18+$0x4ED0] =	vst v10  }
0x65: {  	[tilespmem:s18+$0x4EE0] =	vst v8  }
0x66: {  	[tilespmem:$0xEE80] =	vst v1  }
0x67: {  	[tilespmem:$0xEE90] =	vst v3  }
0x68: {  	[tilespmem:$0xEEA0] =	vst v4  }
0x69: {  	[tilespmem:$0xEEB0] =	vst v5  }
0x6a: {  	[tilespmem:$0xEEC0] =	vst v6  }
0x6b: {  	[spmem:s2] =	stream.indirect.scatter.add.f32 [tilespmem:s11], [sflag:$0x1], $0x80, s10, s9, $0xb8;
	[tilespmem:$0x11900] =	vst v63  }
0x6c: {  	_ =	swait.ge [sflag:s7], $0x2800  }
0x6d: {  	[sflag:s7] =	ssyncset.done $0x0  }
0x6e: {  	[sflag:s7] =	ssyncadd.s32 $0xFFFFD800  }
0x6f: {  	[bflag:$0x0] =	sbarrier.arrive $0xFFFF  }
0x70: {  	[tilespmem:s11], [sflag:$0x1] =	stream.linear.gather [spmem:s2], $0x2800, $0x38;
	[tilespmem:$0x11900] =	vst v63  }
0x71: {  	_ =	swait.ge [sflag:s7], $0x2800  }
0x72: {  	[sflag:s7] =	ssyncset.done $0x0  }
0x73: {  	s17 =	simm.s32 $0x0;
	[sflag:s7] =	ssyncadd.s32 $0xFFFFD800  }
0x74: {  	v11 =	vld [tilespmem:s17+$0x4EF0]  }
0x75: {  	v12 =	vld [tilespmem:s17+$0x4E80]  }
0x76: {  	v13 =	vld [tilespmem:s17+$0x4E90]  }
0x77: {  	v10 =	vld [tilespmem:s17+$0x4EA0]  }
0x78: {  	v8 =	vld [tilespmem:s17+$0x4EB0]  }
0x79: {  	v9 =	vld [tilespmem:s17+$0x4EC0];
	[tilespmem:s17+$0x76F0] =	vst v11  }
0x7a: {  	[tilespmem:s17+$0x7680] =	vst v12;
	v11 =	vld [tilespmem:s17+$0x4ED0]  }
0x7b: {  	s19 =	simm.s32 $0x400;
	s18 =	simm.s32 $0x80;
	[tilespmem:s17+$0x7690] =	vst v13;
	v12 =	vld [tilespmem:s17+$0x4EE0]  }
.LBB2_8:
0x7c: {  	p1 =	sne.s32 s19, $0x9E00;
	v13 =	vld [tilespmem:s18+$0x4EF0];
	[tilespmem:s17+$0x76A0] =	vst v10  }
0x7d: {  	v14 =	vld [tilespmem:s18+$0x4E80];
	[tilespmem:s17+$0x76B0] =	vst v8  }
0x7e: {  	v15 =	vld [tilespmem:s18+$0x4E90];
	[tilespmem:s17+$0x76C0] =	vst v9  }
.Ltmp3:
0x7f: {  	v10 =	vld [tilespmem:s18+$0x4EA0];
	[tilespmem:s17+$0x76D0] =	vst v11;
	(pc) =	sbr.rel @p1 .LBB2_8-.Ltmp3, $4  }
0x80: {  	v8 =	vld [tilespmem:s18+$0x4EB0];
	[tilespmem:s17+$0x76E0] =	vst v12;
	s17 =	smov.u32 s18  }
0x81: {  	v9 =	vld [tilespmem:s17+$0x4EC0];
	[tilespmem:s17+$0x76F0] =	vst v13  }
0x82: {  	[tilespmem:s17+$0x7680] =	vst v14;
	v11 =	vld [tilespmem:s17+$0x4ED0]  }
0x83: {  	s18 =	sshra.s32 s19, $0x2;
	s19 =	sadd.s32 $0x200, s19;
	[tilespmem:s17+$0x7690] =	vst v15;
	v12 =	vld [tilespmem:s17+$0x4EE0]  }
0x84: {  	v13 =	vld [tilespmem:s18+$0x4EF0];
	[tilespmem:s17+$0x76A0] =	vst v10  }
0x85: {  	v10 =	vld [tilespmem:s18+$0x4E80];
	[tilespmem:s17+$0x76B0] =	vst v8  }
0x86: {  	v8 =	vld [tilespmem:s18+$0x4E90];
	[tilespmem:s17+$0x76C0] =	vst v9  }
0x87: {  	v9 =	vld [tilespmem:s18+$0x4EA0];
	[tilespmem:s17+$0x76D0] =	vst v11  }
0x88: {  	v11 =	vld [tilespmem:s18+$0x4EB0];
	[tilespmem:s17+$0x76E0] =	vst v12  }
0x89: {  	v12 =	vld [tilespmem:s18+$0x4EC0];
	[tilespmem:s18+$0x76F0] =	vst v13  }
0x8a: {  	v63 =	vld [tilespmem:s18+$0x4ED0];
	[tilespmem:s18+$0x7680] =	vst v10  }
0x8b: {  	[tilespmem:s18+$0x7690] =	vst v8;
	v8 =	vld [tilespmem:s18+$0x4EE0]  }
0x8c: {  	[tilespmem:s18+$0x76A0] =	vst v9  }
0x8d: {  	[tilespmem:s18+$0x76B0] =	vst v11  }
0x8e: {  	[tilespmem:s18+$0x76C0] =	vst v12  }
0x8f: {  	[tilespmem:s18+$0x76D0] =	vst v63  }
0x90: {  	s17 =	simm.s32 $0x0;
	[tilespmem:s18+$0x76E0] =	vst v8  }
0x91: {  	[tilespmem:s12], [sflag:$0x1] =	stream.linear.gather [hbm4b:s0+s17], $0x2780, $0x38;
	[tilespmem:$0x11900] =	vst v63  }
0x92: {  	_ =	swait.ge [sflag:s7], $0x2780  }
0x93: {  	[sflag:s7] =	ssyncset.done $0x0  }
0x94: {  	[sflag:s7] =	ssyncadd.s32 $0xFFFFD880  }
0x95: {  	[tilespmem:$0xEE00] =	vst v0  }
0x96: {  	[tilespmem:$0xEE10] =	vst v0  }
.LBB2_10:
0x97: {  	s18 =	sshra.s32 s17, $0x2  }
0x98: {  	v8 =	vld [tilespmem:s18+$0xC680];
	_ =	sdelay $0x7  }
0x99: {  	[tilespmem:v8+s13+$0x0] =	vst.idx.add.f32.msk $0xffff, v2  }
0x9a: {  	v8 =	vld [tilespmem:s18+$0xC690];
	_ =	sdelay $0x7  }
0x9b: {  	[tilespmem:v8+s13+$0x0] =	vst.idx.add.f32.msk $0xffff, v2  }
0x9c: {  	v8 =	vld [tilespmem:s18+$0xC6A0];
	_ =	sdelay $0x7  }
0x9d: {  	[tilespmem:v8+s13+$0x0] =	vst.idx.add.f32.msk $0xffff, v2  }
0x9e: {  	v8 =	vld [tilespmem:s18+$0xC6B0];
	_ =	sdelay $0x7  }
0x9f: {  	[tilespmem:v8+s13+$0x0] =	vst.idx.add.f32.msk $0xffff, v2  }
0xa0: {  	v8 =	vld [tilespmem:s18+$0xC6C0];
	_ =	sdelay $0x2  }
0xa1: {  	p1 =	sne.s32 s17, $0x9B00  }
.Ltmp4:
0xa2: {  	_ = 	snop;
	(pc) =	sbr.rel @p1 .LBB2_10-.Ltmp4, $2  }
0xa3: {  	_ =	sdelay $0x2  }
0xa4: {  	s17 =	sadd.s32 $0x140, s17;
	[tilespmem:v8+s13+$0x0] =	vst.idx.add.f32.msk $0xffff, v2  }
0xa5: {  	s17 =	simm.s32 $0x0  }
0xa6: {  	v8 =	vld [tilespmem:s17+$0xC680];
	_ =	sdelay $0x6  }
0xa7: {  	v9 =	vld [tilespmem:s17+$0x7680]  }
0xa8: {  	v10 =	vld.idx.msk [tilespmem:v8+s13+$0x0], $0xffff;
	_ =	sdelay $0x3  }
0xa9: {  	v9 =	vmax.f32 v9, $1.000000000e+00  }
0xaa: {  	v9 =	vmul.f32 v10, v9;
	_ =	sdelay $0x1  }
0xab: {  	(erf) = vrcp.f32 v9;
	_ =	sdelay $0x4  }
0xac: {  	v9 =	vld [tilespmem:s17+$0xC690];
	_ =	sdelay $0x3  }
0xad: {  	v10 =	vpop (erf)  }
0xae: {  	v10 =	vand.u32 $0xFFFFFFE0, v10  }
0xaf: {  	v8 =	vor.u32 v8, v10  }
0xb0: {  	[tilespmem:s17+$0x9E80] =	vst v8;
	v8 =	vld [tilespmem:s17+$0x7690]  }
0xb1: {  	v10 =	vld.idx.msk [tilespmem:v9+s13+$0x0], $0xffff;
	_ =	sdelay $0x3  }
0xb2: {  	v8 =	vmax.f32 v8, $1.000000000e+00  }
0xb3: {  	v8 =	vmul.f32 v10, v8;
	_ =	sdelay $0x1  }
0xb4: {  	(erf) = vrcp.f32 v8;
	_ =	sdelay $0x4  }
0xb5: {  	v8 =	vld [tilespmem:s17+$0xC6A0];
	_ =	sdelay $0x3  }
0xb6: {  	v10 =	vpop (erf)  }
0xb7: {  	v10 =	vand.u32 $0xFFFFFFE0, v10  }
0xb8: {  	v9 =	vor.u32 v9, v10  }
0xb9: {  	[tilespmem:s17+$0x9E90] =	vst v9;
	v9 =	vld [tilespmem:s17+$0x76A0]  }
0xba: {  	v10 =	vld.idx.msk [tilespmem:v8+s13+$0x0], $0xffff;
	_ =	sdelay $0x3  }
0xbb: {  	v9 =	vmax.f32 v9, $1.000000000e+00  }
0xbc: {  	v9 =	vmul.f32 v10, v9;
	_ =	sdelay $0x1  }
0xbd: {  	(erf) = vrcp.f32 v9;
	_ =	sdelay $0x4  }
0xbe: {  	v9 =	vld [tilespmem:s17+$0xC6B0];
	_ =	sdelay $0x3  }
0xbf: {  	v10 =	vpop (erf)  }
0xc0: {  	v10 =	vand.u32 $0xFFFFFFE0, v10  }
0xc1: {  	v8 =	vor.u32 v8, v10  }
0xc2: {  	[tilespmem:s17+$0x9EA0] =	vst v8;
	v8 =	vld [tilespmem:s17+$0x76B0]  }
0xc3: {  	v10 =	vld.idx.msk [tilespmem:v9+s13+$0x0], $0xffff;
	_ =	sdelay $0x3  }
0xc4: {  	v8 =	vmax.f32 v8, $1.000000000e+00  }
0xc5: {  	v8 =	vmul.f32 v10, v8;
	_ =	sdelay $0x1  }
0xc6: {  	(erf) = vrcp.f32 v8;
	_ =	sdelay $0x4  }
0xc7: {  	v8 =	vld [tilespmem:s17+$0xC6C0];
	_ =	sdelay $0x3  }
0xc8: {  	v10 =	vpop (erf)  }
0xc9: {  	v10 =	vand.u32 $0xFFFFFFE0, v10  }
0xca: {  	v9 =	vor.u32 v9, v10  }
0xcb: {  	[tilespmem:s17+$0x9EB0] =	vst v9;
	v9 =	vld [tilespmem:s17+$0x76C0]  }
0xcc: {  	v10 =	vld.idx.msk [tilespmem:v8+s13+$0x0], $0xffff;
	_ =	sdelay $0x3  }
0xcd: {  	v9 =	vmax.f32 v9, $1.000000000e+00  }
0xce: {  	v9 =	vmul.f32 v10, v9;
	_ =	sdelay $0x1  }
0xcf: {  	(erf) = vrcp.f32 v9;
	_ =	sdelay $0x3  }
0xd0: {  	s19 =	simm.s32 $0x50;
	s18 =	simm.s32 $0x280  }
.LBB2_12:
0xd1: {  	p1 =	sne.s32 s18, $0x9B00;
	v9 =	vld [tilespmem:s19+$0xC680];
	_ =	sdelay $0x3  }
0xd2: {  	v10 =	vpop (erf)  }
0xd3: {  	v10 =	vand.u32 $0xFFFFFFE0, v10  }
0xd4: {  	v8 =	vor.u32 v8, v10  }
0xd5: {  	v10 =	vld [tilespmem:s19+$0x7680];
	[tilespmem:s17+$0x9EC0] =	vst v8;
	s17 =	smov.u32 s19  }
0xd6: {  	v8 =	vld.idx.msk [tilespmem:v9+s13+$0x0], $0xffff;
	_ =	sdelay $0x4  }
0xd7: {  	v10 =	vmax.f32 v10, $1.000000000e+00  }
0xd8: {  	v8 =	vmul.f32 v8, v10;
	_ =	sdelay $0x1  }
0xd9: {  	(erf) = vrcp.f32 v8;
	_ =	sdelay $0x4  }
0xda: {  	v8 =	vld [tilespmem:s17+$0xC690];
	_ =	sdelay $0x3  }
0xdb: {  	v10 =	vpop (erf)  }
0xdc: {  	v10 =	vand.u32 $0xFFFFFFE0, v10  }
0xdd: {  	v9 =	vor.u32 v9, v10  }
0xde: {  	[tilespmem:s17+$0x9E80] =	vst v9;
	v9 =	vld [tilespmem:s17+$0x7690]  }
0xdf: {  	v10 =	vld.idx.msk [tilespmem:v8+s13+$0x0], $0xffff;
	_ =	sdelay $0x4  }
0xe0: {  	v9 =	vmax.f32 v9, $1.000000000e+00  }
0xe1: {  	v9 =	vmul.f32 v10, v9;
	_ =	sdelay $0x1  }
0xe2: {  	(erf) = vrcp.f32 v9;
	_ =	sdelay $0x4  }
0xe3: {  	v9 =	vld [tilespmem:s17+$0xC6A0];
	_ =	sdelay $0x3  }
0xe4: {  	v10 =	vpop (erf)  }
0xe5: {  	v10 =	vand.u32 $0xFFFFFFE0, v10  }
0xe6: {  	v8 =	vor.u32 v8, v10  }
0xe7: {  	[tilespmem:s17+$0x9E90] =	vst v8;
	v8 =	vld [tilespmem:s17+$0x76A0]  }
0xe8: {  	v10 =	vld.idx.msk [tilespmem:v9+s13+$0x0], $0xffff;
	_ =	sdelay $0x4  }
0xe9: {  	v8 =	vmax.f32 v8, $1.000000000e+00  }
0xea: {  	v8 =	vmul.f32 v10, v8;
	_ =	sdelay $0x1  }
0xeb: {  	(erf) = vrcp.f32 v8;
	_ =	sdelay $0x4  }
0xec: {  	v10 =	vld [tilespmem:s17+$0xC6B0];
	_ =	sdelay $0x3  }
0xed: {  	v8 =	vpop (erf)  }
0xee: {  	v8 =	vand.u32 $0xFFFFFFE0, v8  }
0xef: {  	v8 =	vor.u32 v9, v8  }
0xf0: {  	[tilespmem:s17+$0x9EA0] =	vst v8;
	v8 =	vld [tilespmem:s17+$0x76B0]  }
0xf1: {  	v9 =	vld.idx.msk [tilespmem:v10+s13+$0x0], $0xffff;
	_ =	sdelay $0x4  }
0xf2: {  	v8 =	vmax.f32 v8, $1.000000000e+00  }
0xf3: {  	v8 =	vmul.f32 v9, v8;
	_ =	sdelay $0x1  }
0xf4: {  	(erf) = vrcp.f32 v8;
	_ =	sdelay $0x4  }
0xf5: {  	v8 =	vld [tilespmem:s17+$0xC6C0];
	_ =	sdelay $0x3  }
0xf6: {  	v9 =	vpop (erf)  }
0xf7: {  	v9 =	vand.u32 $0xFFFFFFE0, v9  }
0xf8: {  	v9 =	vor.u32 v10, v9  }
0xf9: {  	[tilespmem:s17+$0x9EB0] =	vst v9;
	v9 =	vld [tilespmem:s17+$0x76C0]  }
0xfa: {  	v10 =	vld.idx.msk [tilespmem:v8+s13+$0x0], $0xffff;
	_ =	sdelay $0x4  }
0xfb: {  	v9 =	vmax.f32 v9, $1.000000000e+00  }
0xfc: {  	v9 =	vmul.f32 v10, v9;
	_ =	sdelay $0x1  }
.Ltmp5:
0xfd: {  	(erf) = vrcp.f32 v9;
	(pc) =	sbr.rel @p1 .LBB2_12-.Ltmp5, $2  }
0xfe: {  	_ =	sdelay $0x2  }
0xff: {  	s19 =	sshra.s32 s18, $0x2;
	s18 =	sadd.s32 $0x140, s18  }
0x100: {  	v9 =	vld [tilespmem:s19+$0xC680];
	_ =	sdelay $0x3  }
0x101: {  	v10 =	vpop (erf)  }
0x102: {  	v10 =	vand.u32 $0xFFFFFFE0, v10  }
0x103: {  	v8 =	vor.u32 v8, v10  }
0x104: {  	v51 =	vld [tilespmem:s19+$0x7680];
	[tilespmem:s17+$0x9EC0] =	vst v8  }
0x105: {  	v8 =	vld.idx.msk [tilespmem:v9+s13+$0x0], $0xffff;
	_ =	sdelay $0x3  }
0x106: {  	v10 =	vmax.f32 v51, $1.000000000e+00  }
0x107: {  	v8 =	vmul.f32 v8, v10;
	_ =	sdelay $0x1  }
0x108: {  	(erf) = vrcp.f32 v8;
	_ =	sdelay $0x4  }
0x109: {  	v8 =	vld [tilespmem:s19+$0xC690];
	_ =	sdelay $0x3  }
0x10a: {  	v52 =	vpop (erf)  }
0x10b: {  	v10 =	vand.u32 $0xFFFFFFE0, v52  }
0x10c: {  	v9 =	vor.u32 v9, v10  }
0x10d: {  	v53 =	vld [tilespmem:s19+$0x7690];
	[tilespmem:s19+$0x9E80] =	vst v9  }
0x10e: {  	v54 =	vld.idx.msk [tilespmem:v8+s13+$0x0], $0xffff;
	_ =	sdelay $0x3  }
0x10f: {  	v9 =	vmax.f32 v53, $1.000000000e+00  }
0x110: {  	v9 =	vmul.f32 v54, v9;
	_ =	sdelay $0x1  }
0x111: {  	(erf) = vrcp.f32 v9;
	_ =	sdelay $0x4  }
0x112: {  	v55 =	vld [tilespmem:s19+$0xC6A0];
	_ =	sdelay $0x3  }
0x113: {  	v56 =	vpop (erf)  }
0x114: {  	v10 =	vand.u32 $0xFFFFFFE0, v56  }
0x115: {  	v8 =	vor.u32 v8, v10  }
0x116: {  	[tilespmem:s19+$0x9E90] =	vst v8;
	v8 =	vld [tilespmem:s19+$0x76A0]  }
0x117: {  	v57 =	vld.idx.msk [tilespmem:v55+s13+$0x0], $0xffff;
	_ =	sdelay $0x3  }
0x118: {  	v8 =	vmax.f32 v8, $1.000000000e+00  }
0x119: {  	v8 =	vmul.f32 v57, v8;
	_ =	sdelay $0x1  }
0x11a: {  	(erf) = vrcp.f32 v8;
	_ =	sdelay $0x4  }
0x11b: {  	v8 =	vld [tilespmem:s19+$0xC6B0];
	_ =	sdelay $0x3  }
0x11c: {  	v58 =	vpop (erf)  }
0x11d: {  	v10 =	vand.u32 $0xFFFFFFE0, v58  }
0x11e: {  	v9 =	vor.u32 v55, v10  }
0x11f: {  	v59 =	vld [tilespmem:s19+$0x76B0];
	[tilespmem:s19+$0x9EA0] =	vst v9  }
0x120: {  	v60 =	vld.idx.msk [tilespmem:v8+s13+$0x0], $0xffff;
	_ =	sdelay $0x3  }
0x121: {  	v9 =	vmax.f32 v59, $1.000000000e+00  }
0x122: {  	v9 =	vmul.f32 v60, v9;
	_ =	sdelay $0x1  }
0x123: {  	(erf) = vrcp.f32 v9;
	_ =	sdelay $0x4  }
0x124: {  	v61 =	vld [tilespmem:s19+$0xC6C0];
	_ =	sdelay $0x3  }
0x125: {  	v62 =	vpop (erf)  }
0x126: {  	v10 =	vand.u32 $0xFFFFFFE0, v62  }
0x127: {  	v8 =	vor.u32 v8, v10  }
0x128: {  	[tilespmem:s19+$0x9EB0] =	vst v8;
	v8 =	vld [tilespmem:s19+$0x76C0]  }
0x129: {  	v63 =	vld.idx.msk [tilespmem:v61+s13+$0x0], $0xffff;
	_ =	sdelay $0x3  }
0x12a: {  	v8 =	vmax.f32 v8, $1.000000000e+00  }
0x12b: {  	v8 =	vmul.f32 v63, v8;
	_ =	sdelay $0x1  }
0x12c: {  	(erf) = vrcp.f32 v8;
	_ =	sdelay $0x8  }
0x12d: {  	v8 =	vpop (erf)  }
0x12e: {  	v8 =	vand.u32 $0xFFFFFFE0, v8  }
0x12f: {  	v8 =	vor.u32 v61, v8  }
0x130: {  	s17 =	simm.s32 $0x0;
	[tilespmem:s19+$0x9EC0] =	vst v8  }
.LBB2_14:
0x131: {  	s18 =	sshra.s32 s17, $0x2  }
0x132: {  	v8 =	vld.idx.msk [tilespmem:v7+s18+$0xFFFFFFE0 ss:$0x1], $0xffff;
	_ =	sdelay $0x7  }
0x133: {  	v8 =	vld.idx.msk [tilespmem:v8+s14+$0x0], $0xffff;
	_ =	sdelay $0x4  }
0x134: {  	[tilespmem:s18+$0xEF00] =	vst v8  }
0x135: {  	v8 =	vld.idx.msk [tilespmem:v7+s18+$0xFFFFFFF0 ss:$0x1], $0xffff;
	_ =	sdelay $0x7  }
0x136: {  	v8 =	vld.idx.msk [tilespmem:v8+s14+$0x0], $0xffff;
	_ =	sdelay $0x4  }
0x137: {  	[tilespmem:s18+$0xEF10] =	vst v8  }
0x138: {  	v8 =	vld.idx.msk [tilespmem:v7+s18+$0x0 ss:$0x1], $0xffff;
	_ =	sdelay $0x7  }
0x139: {  	v8 =	vld.idx.msk [tilespmem:v8+s14+$0x0], $0xffff;
	_ =	sdelay $0x4  }
0x13a: {  	[tilespmem:s18+$0xEF20] =	vst v8  }
0x13b: {  	v8 =	vld.idx.msk [tilespmem:v7+s18+$0x10 ss:$0x1], $0xffff;
	_ =	sdelay $0x7  }
0x13c: {  	v8 =	vld.idx.msk [tilespmem:v8+s14+$0x0], $0xffff;
	_ =	sdelay $0x4  }
0x13d: {  	[tilespmem:s18+$0xEF30] =	vst v8  }
0x13e: {  	v8 =	vld.idx.msk [tilespmem:v7+s18+$0x20 ss:$0x1], $0xffff;
	_ =	sdelay $0x7  }
0x13f: {  	p1 =	sne.s32 s17, $0x9B00;
	v8 =	vld.idx.msk [tilespmem:v8+s14+$0x0], $0xffff  }
.Ltmp6:
0x140: {  	_ = 	snop;
	(pc) =	sbr.rel @p1 .LBB2_14-.Ltmp6, $2  }
0x141: {  	_ =	sdelay $0x2  }
0x142: {  	s17 =	sadd.s32 $0x140, s17;
	[tilespmem:s18+$0xEF40] =	vst v8  }
0x143: {  	s16 =	sadd.s32 $0x1, s16  }
0x144: {  	p1 =	sne.s32 s16, s6  }
.Ltmp7:
0x145: {  	_ = 	snop;
	(pc) =	sbr.rel @p1 .LBB2_1-.Ltmp7, $4  }
0x146: {  	[hbm4b:s5+s3] =	stream.linear.scatter [tilespmem:s15], [sflag:$0x1], $0x2710, $0x38;
	[tilespmem:$0x11900] =	vst v63  }
0x147: {  	_ =	swait.ge [sflag:s7], $0x2710  }
0x148: {  	[sflag:s7] =	ssyncset.done $0x0  }
0x149: {  	[sflag:s7] =	ssyncadd.s32 $0xFFFFD8F0  }
0x14a: {  	_ =	sfence.sel $0x180000  }
0x14b: {  	[bflag:$0x0] =	sbarrier.arrive $0xFFFF  }
0x14c: {  	_ =	strace $0x90000047  }
0x14d: {  	s0 =	sadd.s32 @!p0 $0x100000, s1;
	[bflag:$0x2] =	sbarrier.arrive $0xFFFF  }
0x14e: {  	[sflag:s0] =	ssyncadd.tile.s32 @!p0 $0x1;
	_ =	shalt  }
.Lfunc_end2:
_tile_overlayer_lowered:
.L_overlay_start_2:
0x14f: {  	(tag) =	ssettag $0x2  }
0x150: {  	s0 =	rddreg [dreg:$0x0];
	s2 =	stileid.u32  }
0x151: {  	s1 =	rddreg [dreg:$0x1];
	p0 =	sne.s32 s2, $0x0  }
0x152: {  	s3 =	rddreg [dreg:$0x2];
	[bflag:$0x3] =	sbarrier.arrive $0xFFFF;
	s2 =	simm.s32 @!p0 $0x1C01  }
0x153: {  	[timem:s3], [sflag:s2] =	dma.local @!p0 [hbm:s0], s1  }
0x154: {  	s0 =	simm.s32 @!p0 $0x1  }
0x155: {  	_ =	swait.ge @!p0 [sflag:s0], s1  }
0x156: {  	s1 =	ssub.s32 @!p0 $0x0, s1;
	[sflag:s0] =	ssyncset.done @!p0 $0x0  }
0x157: {  	[sflag:s0] =	ssyncadd.s32 @!p0 s1  }
0x158: {  	[bflag:$0x3] =	sbarrier.arrive $0xFFFF  }
0x159: {  	_ =	shalt  }

</sc_bundles>
